<compile_context>
chip_gen: v7x
topology: tpu7x:2x2x1
jax: 0.10.2.dev20260603
libtpu: 0.0.44.dev20260713+nightly
codegen_flags: <defaults>
</compile_context>

<pallas_src>
import functools

import jax
import jax.numpy as jnp
from jax import lax
from jax.experimental import pallas as pl
from jax.experimental.pallas import tpu as pltpu
from jax.experimental.pallas import tpu_sc as plsc

VOCAB = 100000
EMB_DIM = 64
BATCH = 4096
HIST = 50

_NC, _NS = 2, 16
_NW = _NC * _NS
_B_PER_W = BATCH // _NW
_IDX_PER_W = _B_PER_W * HIST
_GROUPS = _B_PER_W // 16

_SUBCH = 4
_SUBROWS = EMB_DIM // _SUBCH


def _tc_matvec_body(embt_hbm, w_ref, p_ref, *scratch):
    bufs, sems = scratch[:_SUBCH], scratch[_SUBCH:]

    for i in range(_SUBCH):
        pltpu.make_async_copy(
            embt_hbm.at[pl.ds(i * _SUBROWS, _SUBROWS), :], bufs[i], sems[i]
        ).start()

    acc = None
    for i in range(_SUBCH):
        pltpu.make_async_copy(
            embt_hbm.at[pl.ds(i * _SUBROWS, _SUBROWS), :], bufs[i], sems[i]
        ).wait()
        part = lax.dot_general(
            w_ref[pl.ds(0, 1), pl.ds(i * _SUBROWS, _SUBROWS)], bufs[i][...],
            dimension_numbers=(((1,), (0,)), ((), ())),
            preferred_element_type=jnp.float32,
        )
        acc = part if acc is None else acc + part
    p_ref[...] = acc[0]


_tc_matvec = pl.pallas_call(
    _tc_matvec_body,
    in_specs=[
        pl.BlockSpec(memory_space=pl.ANY),
        pl.BlockSpec((1, EMB_DIM), lambda: (0, 0)),
    ],
    out_specs=pl.BlockSpec((VOCAB,), lambda: (0,)),
    out_shape=jax.ShapeDtypeStruct((VOCAB,), jnp.float32),
    scratch_shapes=(
        [pltpu.VMEM((_SUBROWS, VOCAB), jnp.float32)] * _SUBCH
        + [pltpu.SemaphoreType.DMA] * _SUBCH
    ),
)


def _sc_body(p_hbm, xt_hbm, mask_hbm, b_hbm, out_hbm, p_v, xt_v, mask_v, b_v, out_v, psem):
    wid = lax.axis_index("s") * _NC + lax.axis_index("c")
    pcopy = pltpu.make_async_copy(p_hbm, p_v, psem)
    pcopy.start()
    pltpu.sync_copy(xt_hbm.at[:, pl.ds(wid * _B_PER_W, _B_PER_W)], xt_v)
    pltpu.sync_copy(mask_hbm.at[0, pl.ds(wid * _B_PER_W, _B_PER_W)], mask_v)
    pltpu.sync_copy(b_hbm, b_v)
    pcopy.wait()

    def body(t, accs):
        new = []
        for g in range(_GROUPS):
            xi = xt_v[t, pl.ds(g * 16, 16)]
            new.append(accs[g] + plsc.load_gather(p_v, [xi]))
        return tuple(new)

    zero = jnp.zeros((16,), jnp.float32)
    accs = lax.fori_loop(
        0, HIST, body, tuple(zero for _ in range(_GROUPS)), unroll=5
    )

    for g in range(_GROUPS):
        val = accs[g] / mask_v[pl.ds(g * 16, 16)] + b_v[...]
        out_v[pl.ds(g * 16, 16)] = 1.0 / (1.0 + jnp.exp(-val))

    pltpu.sync_copy(out_v, out_hbm.at[pl.ds(wid * _B_PER_W, _B_PER_W)])


@functools.cache
def _sc_pool():
    return pl.kernel(
        _sc_body,
        out_type=jax.ShapeDtypeStruct((BATCH,), jnp.float32),
        mesh=plsc.VectorSubcoreMesh(
            core_axis_name="c", subcore_axis_name="s", num_cores=_NC, num_subcores=_NS
        ),
        compiler_params=pltpu.CompilerParams(needs_layout_passes=False),
        scratch_types=[
            pltpu.VMEM((VOCAB,), jnp.float32),
            pltpu.VMEM((HIST, _B_PER_W), jnp.int32),
            pltpu.VMEM((_B_PER_W,), jnp.float32),
            pltpu.VMEM((16,), jnp.float32),
            pltpu.VMEM((_B_PER_W,), jnp.float32),
            pltpu.SemaphoreType.DMA,
        ],
    )


def kernel(X, X_mask, emb, W, b):
    p = _tc_matvec(emb.T, W)
    b16 = jnp.broadcast_to(b.astype(jnp.float32), (16,))
    return _sc_pool()(p, X.T, X_mask.T, b16)

# --- scband reference (transcript-rebuilt; emitter-appended) ---
"""Pipeline reference for scband-word-vec-sum-6743098655136 (READ-ONLY COPY).

The authoritative reference and input builder live on the scoring server;
editing this copy changes nothing except your own understanding.
"""

import jax, jax.numpy as jnp
import numpy as np

VOCAB = 100000
EMB_DIM = 64
BATCH = 4096
HIST = 50

def setup_inputs(seed: int = 0) -> dict:
    key = jax.random.key(seed)
    k1, k2, k3 = jax.random.split(key, 3)
    X = jax.random.randint(k1, (BATCH, HIST), 0, VOCAB).astype(jnp.int32)
    # X_mask acts as per-example normalizer (e.g., sequence length); ones keeps it safe
    X_mask = jnp.ones((BATCH, 1), dtype=jnp.float32)
    # frozen pretrained embedding table (padding_idx=0 row is just data here)
    emb = jax.random.normal(k2, (VOCAB, EMB_DIM), dtype=jnp.float32)
    emb = emb.at[0].set(0.0)  # emulate padding_idx=0 zero row
    W = jax.random.normal(k3, (1, EMB_DIM), dtype=jnp.float32) * 0.02
    b = jnp.zeros((1,), dtype=jnp.float32)
    return {"X": X, "X_mask": X_mask, "emb": emb, "W": W, "b": b}

def reference(X, X_mask, emb, W, b):
    # embedding lookup: [m, Tx, d]
    h = jnp.take(emb, X, axis=0)
    # sum over time dimension -> [m, d]
    h = jnp.sum(h, axis=1)
    # divide by mask/length normalizer (torch.div(X.data, X_mask))
    h = h / X_mask
    # linear -> [m, 1]
    logits = h @ W.T + b
    # num_classes == 2 path: squeeze + sigmoid -> [m]
    out = jax.nn.sigmoid(jnp.squeeze(logits, axis=-1))
    return out

if __name__ == "__main__":
    import jax
    _d = setup_inputs()
    print(jax.jit(kernel)(*tuple(_d.values())))

</pallas_src>

<mosaic_0001>
#map = affine_map<(d0, d1) -> (0)>
#map1 = affine_map<(d0, d1) -> (0, 0)>
module attributes {stable_mosaic.version = 14 : i64} {
  func.func @_sc_body(%arg0: i32, %arg1: i32, %arg2: memref<100000xf32, #tpu.memory_space<hbm>>, %arg3: memref<50x4096xi32, #tpu.memory_space<hbm>>, %arg4: memref<1x4096xf32, #tpu.memory_space<hbm>>, %arg5: memref<16xf32, #tpu.memory_space<hbm>>, %arg6: memref<4096xf32, #tpu.memory_space<hbm>>, %arg7: memref<100000xf32, #tpu.memory_space<vmem>>, %arg8: memref<50x128xi32, #tpu.memory_space<vmem>>, %arg9: memref<128xf32, #tpu.memory_space<vmem>>, %arg10: memref<16xf32, #tpu.memory_space<vmem>>, %arg11: memref<128xf32, #tpu.memory_space<vmem>>, %arg12: memref<!tpu.dma_semaphore, #tpu.memory_space<semaphore_mem>>) attributes {dimension_semantics = [#tpu.dimension_semantics<core_parallel>, #tpu.dimension_semantics<subcore_parallel>], iteration_bounds = array<i64: 2, 16>, scalar_prefetch = 0 : i64, scratch_operands = 6 : i64, tpu.core_type = #tpu.core_type<sc_vector_subcore>, window_params = [{transform_indices = #map}, {transform_indices = #map1}, {transform_indices = #map1}, {transform_indices = #map}, {transform_indices = #map}]} {
    %mul3A = arith.constant 2 : i32
    %mul3A_0 = arith.muli %arg1, %mul3A : i32
    %add3A = arith.addi %mul3A_0, %arg0 : i32
    tpu.enqueue_dma source(%arg2 : memref<100000xf32, #tpu.memory_space<hbm>>) target(%arg7 : memref<100000xf32, #tpu.memory_space<vmem>>) target_semaphore(%arg12 : memref<!tpu.dma_semaphore, #tpu.memory_space<semaphore_mem>>)
    %mul3A_1 = arith.constant 128 : i32
    %mul3A_2 = arith.muli %add3A, %mul3A_1 : i32
    "tpu.region"() ({
      %run_scoped3A_152 = tpu.sem_alloc : memref<!tpu.dma_semaphore, #tpu.memory_space<semaphore_mem>>
      %dma_start3A = arith.constant 0 : i32
      %dma_start3A_153 = tpu.memref_slice %arg3[%dma_start3A, %mul3A_2] : memref<50x4096xi32, #tpu.memory_space<hbm>> -> memref<50x128xi32, #tpu.memory_space<hbm>>
      %dma_start3A_154 = arith.constant 0 : i32
      %dma_start3A_155 = tpu.memref_slice %arg3[%dma_start3A_154, %mul3A_2] : memref<50x4096xi32, #tpu.memory_space<hbm>> -> memref<50x128xi32, #tpu.memory_space<hbm>>
      tpu.enqueue_dma source(%dma_start3A_155 : memref<50x128xi32, #tpu.memory_space<hbm>>) target(%arg8 : memref<50x128xi32, #tpu.memory_space<vmem>>) target_semaphore(%run_scoped3A_152 : memref<!tpu.dma_semaphore, #tpu.memory_space<semaphore_mem>>)
      %dma_wait3A = arith.constant 0 : i32
      %dma_wait3A_156 = tpu.memref_slice %arg3[%dma_wait3A, %mul3A_2] : memref<50x4096xi32, #tpu.memory_space<hbm>> -> memref<50x128xi32, #tpu.memory_space<hbm>>
      %dma_wait3A_157 = arith.constant 0 : i32
      %dma_wait3A_158 = tpu.memref_slice %arg3[%dma_wait3A_157, %mul3A_2] : memref<50x4096xi32, #tpu.memory_space<hbm>> -> memref<50x128xi32, #tpu.memory_space<hbm>>
      tpu.wait_dma2 semaphore(%run_scoped3A_152 : memref<!tpu.dma_semaphore, #tpu.memory_space<semaphore_mem>>) src(%dma_wait3A_158 : memref<50x128xi32, #tpu.memory_space<hbm>>) dst(%arg8 : memref<50x128xi32, #tpu.memory_space<vmem>>)
      tpu.yield
    }) : () -> ()
    %mul3A_3 = arith.constant 128 : i32
    %mul3A_4 = arith.muli %add3A, %mul3A_3 : i32
    %run_scoped3A = arith.constant 0 : i32
    "tpu.region"() ({
      %run_scoped3A_152 = tpu.sem_alloc : memref<!tpu.dma_semaphore, #tpu.memory_space<semaphore_mem>>
      %dma_start3A = tpu.memref_slice %arg4[%run_scoped3A, %mul3A_4] : memref<1x4096xf32, #tpu.memory_space<hbm>> -> memref<1x128xf32, #tpu.memory_space<hbm>>
      %dma_start3A_153 = tpu.memref_squeeze %dma_start3A : memref<1x128xf32, #tpu.memory_space<hbm>> -> memref<128xf32, #tpu.memory_space<hbm>>
      %dma_start3A_154 = tpu.memref_slice %arg4[%run_scoped3A, %mul3A_4] : memref<1x4096xf32, #tpu.memory_space<hbm>> -> memref<1x128xf32, #tpu.memory_space<hbm>>
      %dma_start3A_155 = tpu.memref_squeeze %dma_start3A_154 : memref<1x128xf32, #tpu.memory_space<hbm>> -> memref<128xf32, #tpu.memory_space<hbm>>
      tpu.enqueue_dma source(%dma_start3A_155 : memref<128xf32, #tpu.memory_space<hbm>>) target(%arg9 : memref<128xf32, #tpu.memory_space<vmem>>) target_semaphore(%run_scoped3A_152 : memref<!tpu.dma_semaphore, #tpu.memory_space<semaphore_mem>>)
      %dma_wait3A = tpu.memref_slice %arg4[%run_scoped3A, %mul3A_4] : memref<1x4096xf32, #tpu.memory_space<hbm>> -> memref<1x128xf32, #tpu.memory_space<hbm>>
      %dma_wait3A_156 = tpu.memref_squeeze %dma_wait3A : memref<1x128xf32, #tpu.memory_space<hbm>> -> memref<128xf32, #tpu.memory_space<hbm>>
      %dma_wait3A_157 = tpu.memref_slice %arg4[%run_scoped3A, %mul3A_4] : memref<1x4096xf32, #tpu.memory_space<hbm>> -> memref<1x128xf32, #tpu.memory_space<hbm>>
      %dma_wait3A_158 = tpu.memref_squeeze %dma_wait3A_157 : memref<1x128xf32, #tpu.memory_space<hbm>> -> memref<128xf32, #tpu.memory_space<hbm>>
      tpu.wait_dma2 semaphore(%run_scoped3A_152 : memref<!tpu.dma_semaphore, #tpu.memory_space<semaphore_mem>>) src(%dma_wait3A_158 : memref<128xf32, #tpu.memory_space<hbm>>) dst(%arg9 : memref<128xf32, #tpu.memory_space<vmem>>)
      tpu.yield
    }) : () -> ()
    "tpu.region"() ({
      %run_scoped3A_152 = tpu.sem_alloc : memref<!tpu.dma_semaphore, #tpu.memory_space<semaphore_mem>>
      tpu.enqueue_dma source(%arg5 : memref<16xf32, #tpu.memory_space<hbm>>) target(%arg10 : memref<16xf32, #tpu.memory_space<vmem>>) target_semaphore(%run_scoped3A_152 : memref<!tpu.dma_semaphore, #tpu.memory_space<semaphore_mem>>)
      tpu.wait_dma2 semaphore(%run_scoped3A_152 : memref<!tpu.dma_semaphore, #tpu.memory_space<semaphore_mem>>) src(%arg5 : memref<16xf32, #tpu.memory_space<hbm>>) dst(%arg10 : memref<16xf32, #tpu.memory_space<vmem>>)
      tpu.yield
    }) : () -> ()
    tpu.wait_dma2 semaphore(%arg12 : memref<!tpu.dma_semaphore, #tpu.memory_space<semaphore_mem>>) src(%arg2 : memref<100000xf32, #tpu.memory_space<hbm>>) dst(%arg7 : memref<100000xf32, #tpu.memory_space<vmem>>)
    %broadcast_in_dim3A = arith.constant 0.000000e+00 : f32
    %broadcast_in_dim3A_5 = vector.broadcast %broadcast_in_dim3A : f32 to vector<16xf32>
    %scan3A = arith.constant 0 : i32
    %scan3A_6 = arith.constant 50 : i32
    %scan3A_7 = arith.addi %scan3A, %scan3A_6 : i32
    %scan3A_8 = arith.constant 5 : i32
    %scan3A_9:8 = scf.for %scan3A_152 = %scan3A to %scan3A_7 step %scan3A_8 iter_args(%scan3A_153 = %broadcast_in_dim3A_5, %scan3A_154 = %broadcast_in_dim3A_5, %scan3A_155 = %broadcast_in_dim3A_5, %scan3A_156 = %broadcast_in_dim3A_5, %scan3A_157 = %broadcast_in_dim3A_5, %scan3A_158 = %broadcast_in_dim3A_5, %scan3A_159 = %broadcast_in_dim3A_5, %scan3A_160 = %broadcast_in_dim3A_5) -> (vector<16xf32>, vector<16xf32>, vector<16xf32>, vector<16xf32>, vector<16xf32>, vector<16xf32>, vector<16xf32>, vector<16xf32>)  : i32 {
      %get3A_161 = arith.index_cast %scan3A_152 : i32 to index
      %get3A_162 = arith.constant 0 : index
      %get3A_163 = tpu.vector_load %arg8[%get3A_161, %get3A_162] {strides = array<i32>} : memref<50x128xi32, #tpu.memory_space<vmem>>, vector<16xi32>,
      %gather3A = tpu.vector_load_idx %arg7[%get3A_163] : memref<100000xf32, #tpu.memory_space<vmem>>[vector<16xi32>], vector<16xf32>,
      %add3A_164 = arith.addf %scan3A_153, %gather3A : vector<16xf32>
      %get3A_165 = arith.index_cast %scan3A_152 : i32 to index
      %get3A_166 = arith.constant 16 : index
      %get3A_167 = tpu.vector_load %arg8[%get3A_165, %get3A_166] {strides = array<i32>} : memref<50x128xi32, #tpu.memory_space<vmem>>, vector<16xi32>,
      %gather3A_168 = tpu.vector_load_idx %arg7[%get3A_167] : memref<100000xf32, #tpu.memory_space<vmem>>[vector<16xi32>], vector<16xf32>,
      %add3A_169 = arith.addf %scan3A_154, %gather3A_168 : vector<16xf32>
      %get3A_170 = arith.index_cast %scan3A_152 : i32 to index
      %get3A_171 = arith.constant 32 : index
      %get3A_172 = tpu.vector_load %arg8[%get3A_170, %get3A_171] {strides = array<i32>} : memref<50x128xi32, #tpu.memory_space<vmem>>, vector<16xi32>,
      %gather3A_173 = tpu.vector_load_idx %arg7[%get3A_172] : memref<100000xf32, #tpu.memory_space<vmem>>[vector<16xi32>], vector<16xf32>,
      %add3A_174 = arith.addf %scan3A_155, %gather3A_173 : vector<16xf32>
      %get3A_175 = arith.index_cast %scan3A_152 : i32 to index
      %get3A_176 = arith.constant 48 : index
      %get3A_177 = tpu.vector_load %arg8[%get3A_175, %get3A_176] {strides = array<i32>} : memref<50x128xi32, #tpu.memory_space<vmem>>, vector<16xi32>,
      %gather3A_178 = tpu.vector_load_idx %arg7[%get3A_177] : memref<100000xf32, #tpu.memory_space<vmem>>[vector<16xi32>], vector<16xf32>,
      %add3A_179 = arith.addf %scan3A_156, %gather3A_178 : vector<16xf32>
      %get3A_180 = arith.index_cast %scan3A_152 : i32 to index
      %get3A_181 = arith.constant 64 : index
      %get3A_182 = tpu.vector_load %arg8[%get3A_180, %get3A_181] {strides = array<i32>} : memref<50x128xi32, #tpu.memory_space<vmem>>, vector<16xi32>,
      %gather3A_183 = tpu.vector_load_idx %arg7[%get3A_182] : memref<100000xf32, #tpu.memory_space<vmem>>[vector<16xi32>], vector<16xf32>,
      %add3A_184 = arith.addf %scan3A_157, %gather3A_183 : vector<16xf32>
      %get3A_185 = arith.index_cast %scan3A_152 : i32 to index
      %get3A_186 = arith.constant 80 : index
      %get3A_187 = tpu.vector_load %arg8[%get3A_185, %get3A_186] {strides = array<i32>} : memref<50x128xi32, #tpu.memory_space<vmem>>, vector<16xi32>,
      %gather3A_188 = tpu.vector_load_idx %arg7[%get3A_187] : memref<100000xf32, #tpu.memory_space<vmem>>[vector<16xi32>], vector<16xf32>,
      %add3A_189 = arith.addf %scan3A_158, %gather3A_188 : vector<16xf32>
      %get3A_190 = arith.index_cast %scan3A_152 : i32 to index
      %get3A_191 = arith.constant 96 : index
      %get3A_192 = tpu.vector_load %arg8[%get3A_190, %get3A_191] {strides = array<i32>} : memref<50x128xi32, #tpu.memory_space<vmem>>, vector<16xi32>,
      %gather3A_193 = tpu.vector_load_idx %arg7[%get3A_192] : memref<100000xf32, #tpu.memory_space<vmem>>[vector<16xi32>], vector<16xf32>,
      %add3A_194 = arith.addf %scan3A_159, %gather3A_193 : vector<16xf32>
      %get3A_195 = arith.index_cast %scan3A_152 : i32 to index
      %get3A_196 = arith.constant 112 : index
      %get3A_197 = tpu.vector_load %arg8[%get3A_195, %get3A_196] {strides = array<i32>} : memref<50x128xi32, #tpu.memory_space<vmem>>, vector<16xi32>,
      %gather3A_198 = tpu.vector_load_idx %arg7[%get3A_197] : memref<100000xf32, #tpu.memory_space<vmem>>[vector<16xi32>], vector<16xf32>,
      %add3A_199 = arith.addf %scan3A_160, %gather3A_198 : vector<16xf32>
      %scan3A_200 = arith.constant 1 : i32
      %scan3A_201 = arith.addi %scan3A_152, %scan3A_200 : i32
      %get3A_202 = arith.index_cast %scan3A_201 : i32 to index
      %get3A_203 = arith.constant 0 : index
      %get3A_204 = tpu.vector_load %arg8[%get3A_202, %get3A_203] {strides = array<i32>} : memref<50x128xi32, #tpu.memory_space<vmem>>, vector<16xi32>,
      %gather3A_205 = tpu.vector_load_idx %arg7[%get3A_204] : memref<100000xf32, #tpu.memory_space<vmem>>[vector<16xi32>], vector<16xf32>,
      %add3A_206 = arith.addf %add3A_164, %gather3A_205 : vector<16xf32>
      %get3A_207 = arith.index_cast %scan3A_201 : i32 to index
      %get3A_208 = arith.constant 16 : index
      %get3A_209 = tpu.vector_load %arg8[%get3A_207, %get3A_208] {strides = array<i32>} : memref<50x128xi32, #tpu.memory_space<vmem>>, vector<16xi32>,
      %gather3A_210 = tpu.vector_load_idx %arg7[%get3A_209] : memref<100000xf32, #tpu.memory_space<vmem>>[vector<16xi32>], vector<16xf32>,
      %add3A_211 = arith.addf %add3A_169, %gather3A_210 : vector<16xf32>
      %get3A_212 = arith.index_cast %scan3A_201 : i32 to index
      %get3A_213 = arith.constant 32 : index
      %get3A_214 = tpu.vector_load %arg8[%get3A_212, %get3A_213] {strides = array<i32>} : memref<50x128xi32, #tpu.memory_space<vmem>>, vector<16xi32>,
      %gather3A_215 = tpu.vector_load_idx %arg7[%get3A_214] : memref<100000xf32, #tpu.memory_space<vmem>>[vector<16xi32>], vector<16xf32>,
      %add3A_216 = arith.addf %add3A_174, %gather3A_215 : vector<16xf32>
      %get3A_217 = arith.index_cast %scan3A_201 : i32 to index
      %get3A_218 = arith.constant 48 : index
      %get3A_219 = tpu.vector_load %arg8[%get3A_217, %get3A_218] {strides = array<i32>} : memref<50x128xi32, #tpu.memory_space<vmem>>, vector<16xi32>,
      %gather3A_220 = tpu.vector_load_idx %arg7[%get3A_219] : memref<100000xf32, #tpu.memory_space<vmem>>[vector<16xi32>], vector<16xf32>,
      %add3A_221 = arith.addf %add3A_179, %gather3A_220 : vector<16xf32>
      %get3A_222 = arith.index_cast %scan3A_201 : i32 to index
      %get3A_223 = arith.constant 64 : index
      %get3A_224 = tpu.vector_load %arg8[%get3A_222, %get3A_223] {strides = array<i32>} : memref<50x128xi32, #tpu.memory_space<vmem>>, vector<16xi32>,
      %gather3A_225 = tpu.vector_load_idx %arg7[%get3A_224] : memref<100000xf32, #tpu.memory_space<vmem>>[vector<16xi32>], vector<16xf32>,
      %add3A_226 = arith.addf %add3A_184, %gather3A_225 : vector<16xf32>
      %get3A_227 = arith.index_cast %scan3A_201 : i32 to index
      %get3A_228 = arith.constant 80 : index
      %get3A_229 = tpu.vector_load %arg8[%get3A_227, %get3A_228] {strides = array<i32>} : memref<50x128xi32, #tpu.memory_space<vmem>>, vector<16xi32>,
      %gather3A_230 = tpu.vector_load_idx %arg7[%get3A_229] : memref<100000xf32, #tpu.memory_space<vmem>>[vector<16xi32>], vector<16xf32>,
      %add3A_231 = arith.addf %add3A_189, %gather3A_230 : vector<16xf32>
      %get3A_232 = arith.index_cast %scan3A_201 : i32 to index
      %get3A_233 = arith.constant 96 : index
      %get3A_234 = tpu.vector_load %arg8[%get3A_232, %get3A_233] {strides = array<i32>} : memref<50x128xi32, #tpu.memory_space<vmem>>, vector<16xi32>,
      %gather3A_235 = tpu.vector_load_idx %arg7[%get3A_234] : memref<100000xf32, #tpu.memory_space<vmem>>[vector<16xi32>], vector<16xf32>,
      %add3A_236 = arith.addf %add3A_194, %gather3A_235 : vector<16xf32>
      %get3A_237 = arith.index_cast %scan3A_201 : i32 to index
      %get3A_238 = arith.constant 112 : index
      %get3A_239 = tpu.vector_load %arg8[%get3A_237, %get3A_238] {strides = array<i32>} : memref<50x128xi32, #tpu.memory_space<vmem>>, vector<16xi32>,
      %gather3A_240 = tpu.vector_load_idx %arg7[%get3A_239] : memref<100000xf32, #tpu.memory_space<vmem>>[vector<16xi32>], vector<16xf32>,
      %add3A_241 = arith.addf %add3A_199, %gather3A_240 : vector<16xf32>
      %scan3A_242 = arith.constant 2 : i32
      %scan3A_243 = arith.addi %scan3A_152, %scan3A_242 : i32
      %get3A_244 = arith.index_cast %scan3A_243 : i32 to index
      %get3A_245 = arith.constant 0 : index
      %get3A_246 = tpu.vector_load %arg8[%get3A_244, %get3A_245] {strides = array<i32>} : memref<50x128xi32, #tpu.memory_space<vmem>>, vector<16xi32>,
      %gather3A_247 = tpu.vector_load_idx %arg7[%get3A_246] : memref<100000xf32, #tpu.memory_space<vmem>>[vector<16xi32>], vector<16xf32>,
      %add3A_248 = arith.addf %add3A_206, %gather3A_247 : vector<16xf32>
      %get3A_249 = arith.index_cast %scan3A_243 : i32 to index
      %get3A_250 = arith.constant 16 : index
      %get3A_251 = tpu.vector_load %arg8[%get3A_249, %get3A_250] {strides = array<i32>} : memref<50x128xi32, #tpu.memory_space<vmem>>, vector<16xi32>,
      %gather3A_252 = tpu.vector_load_idx %arg7[%get3A_251] : memref<100000xf32, #tpu.memory_space<vmem>>[vector<16xi32>], vector<16xf32>,
      %add3A_253 = arith.addf %add3A_211, %gather3A_252 : vector<16xf32>
      %get3A_254 = arith.index_cast %scan3A_243 : i32 to index
      %get3A_255 = arith.constant 32 : index
      %get3A_256 = tpu.vector_load %arg8[%get3A_254, %get3A_255] {strides = array<i32>} : memref<50x128xi32, #tpu.memory_space<vmem>>, vector<16xi32>,
      %gather3A_257 = tpu.vector_load_idx %arg7[%get3A_256] : memref<100000xf32, #tpu.memory_space<vmem>>[vector<16xi32>], vector<16xf32>,
      %add3A_258 = arith.addf %add3A_216, %gather3A_257 : vector<16xf32>
      %get3A_259 = arith.index_cast %scan3A_243 : i32 to index
      %get3A_260 = arith.constant 48 : index
      %get3A_261 = tpu.vector_load %arg8[%get3A_259, %get3A_260] {strides = array<i32>} : memref<50x128xi32, #tpu.memory_space<vmem>>, vector<16xi32>,
      %gather3A_262 = tpu.vector_load_idx %arg7[%get3A_261] : memref<100000xf32, #tpu.memory_space<vmem>>[vector<16xi32>], vector<16xf32>,
      %add3A_263 = arith.addf %add3A_221, %gather3A_262 : vector<16xf32>
      %get3A_264 = arith.index_cast %scan3A_243 : i32 to index
      %get3A_265 = arith.constant 64 : index
      %get3A_266 = tpu.vector_load %arg8[%get3A_264, %get3A_265] {strides = array<i32>} : memref<50x128xi32, #tpu.memory_space<vmem>>, vector<16xi32>,
      %gather3A_267 = tpu.vector_load_idx %arg7[%get3A_266] : memref<100000xf32, #tpu.memory_space<vmem>>[vector<16xi32>], vector<16xf32>,
      %add3A_268 = arith.addf %add3A_226, %gather3A_267 : vector<16xf32>
      %get3A_269 = arith.index_cast %scan3A_243 : i32 to index
      %get3A_270 = arith.constant 80 : index
      %get3A_271 = tpu.vector_load %arg8[%get3A_269, %get3A_270] {strides = array<i32>} : memref<50x128xi32, #tpu.memory_space<vmem>>, vector<16xi32>,
      %gather3A_272 = tpu.vector_load_idx %arg7[%get3A_271] : memref<100000xf32, #tpu.memory_space<vmem>>[vector<16xi32>], vector<16xf32>,
      %add3A_273 = arith.addf %add3A_231, %gather3A_272 : vector<16xf32>
      %get3A_274 = arith.index_cast %scan3A_243 : i32 to index
      %get3A_275 = arith.constant 96 : index
      %get3A_276 = tpu.vector_load %arg8[%get3A_274, %get3A_275] {strides = array<i32>} : memref<50x128xi32, #tpu.memory_space<vmem>>, vector<16xi32>,
      %gather3A_277 = tpu.vector_load_idx %arg7[%get3A_276] : memref<100000xf32, #tpu.memory_space<vmem>>[vector<16xi32>], vector<16xf32>,
      %add3A_278 = arith.addf %add3A_236, %gather3A_277 : vector<16xf32>
      %get3A_279 = arith.index_cast %scan3A_243 : i32 to index
      %get3A_280 = arith.constant 112 : index
      %get3A_281 = tpu.vector_load %arg8[%get3A_279, %get3A_280] {strides = array<i32>} : memref<50x128xi32, #tpu.memory_space<vmem>>, vector<16xi32>,
      %gather3A_282 = tpu.vector_load_idx %arg7[%get3A_281] : memref<100000xf32, #tpu.memory_space<vmem>>[vector<16xi32>], vector<16xf32>,
      %add3A_283 = arith.addf %add3A_241, %gather3A_282 : vector<16xf32>
      %scan3A_284 = arith.constant 3 : i32
      %scan3A_285 = arith.addi %scan3A_152, %scan3A_284 : i32
      %get3A_286 = arith.index_cast %scan3A_285 : i32 to index
      %get3A_287 = arith.constant 0 : index
      %get3A_288 = tpu.vector_load %arg8[%get3A_286, %get3A_287] {strides = array<i32>} : memref<50x128xi32, #tpu.memory_space<vmem>>, vector<16xi32>,
      %gather3A_289 = tpu.vector_load_idx %arg7[%get3A_288] : memref<100000xf32, #tpu.memory_space<vmem>>[vector<16xi32>], vector<16xf32>,
      %add3A_290 = arith.addf %add3A_248, %gather3A_289 : vector<16xf32>
      %get3A_291 = arith.index_cast %scan3A_285 : i32 to index
      %get3A_292 = arith.constant 16 : index
      %get3A_293 = tpu.vector_load %arg8[%get3A_291, %get3A_292] {strides = array<i32>} : memref<50x128xi32, #tpu.memory_space<vmem>>, vector<16xi32>,
      %gather3A_294 = tpu.vector_load_idx %arg7[%get3A_293] : memref<100000xf32, #tpu.memory_space<vmem>>[vector<16xi32>], vector<16xf32>,
      %add3A_295 = arith.addf %add3A_253, %gather3A_294 : vector<16xf32>
      %get3A_296 = arith.index_cast %scan3A_285 : i32 to index
      %get3A_297 = arith.constant 32 : index
      %get3A_298 = tpu.vector_load %arg8[%get3A_296, %get3A_297] {strides = array<i32>} : memref<50x128xi32, #tpu.memory_space<vmem>>, vector<16xi32>,
      %gather3A_299 = tpu.vector_load_idx %arg7[%get3A_298] : memref<100000xf32, #tpu.memory_space<vmem>>[vector<16xi32>], vector<16xf32>,
      %add3A_300 = arith.addf %add3A_258, %gather3A_299 : vector<16xf32>
      %get3A_301 = arith.index_cast %scan3A_285 : i32 to index
      %get3A_302 = arith.constant 48 : index
      %get3A_303 = tpu.vector_load %arg8[%get3A_301, %get3A_302] {strides = array<i32>} : memref<50x128xi32, #tpu.memory_space<vmem>>, vector<16xi32>,
      %gather3A_304 = tpu.vector_load_idx %arg7[%get3A_303] : memref<100000xf32, #tpu.memory_space<vmem>>[vector<16xi32>], vector<16xf32>,
      %add3A_305 = arith.addf %add3A_263, %gather3A_304 : vector<16xf32>
      %get3A_306 = arith.index_cast %scan3A_285 : i32 to index
      %get3A_307 = arith.constant 64 : index
      %get3A_308 = tpu.vector_load %arg8[%get3A_306, %get3A_307] {strides = array<i32>} : memref<50x128xi32, #tpu.memory_space<vmem>>, vector<16xi32>,
      %gather3A_309 = tpu.vector_load_idx %arg7[%get3A_308] : memref<100000xf32, #tpu.memory_space<vmem>>[vector<16xi32>], vector<16xf32>,
      %add3A_310 = arith.addf %add3A_268, %gather3A_309 : vector<16xf32>
      %get3A_311 = arith.index_cast %scan3A_285 : i32 to index
      %get3A_312 = arith.constant 80 : index
      %get3A_313 = tpu.vector_load %arg8[%get3A_311, %get3A_312] {strides = array<i32>} : memref<50x128xi32, #tpu.memory_space<vmem>>, vector<16xi32>,
      %gather3A_314 = tpu.vector_load_idx %arg7[%get3A_313] : memref<100000xf32, #tpu.memory_space<vmem>>[vector<16xi32>], vector<16xf32>,
      %add3A_315 = arith.addf %add3A_273, %gather3A_314 : vector<16xf32>
      %get3A_316 = arith.index_cast %scan3A_285 : i32 to index
      %get3A_317 = arith.constant 96 : index
      %get3A_318 = tpu.vector_load %arg8[%get3A_316, %get3A_317] {strides = array<i32>} : memref<50x128xi32, #tpu.memory_space<vmem>>, vector<16xi32>,
      %gather3A_319 = tpu.vector_load_idx %arg7[%get3A_318] : memref<100000xf32, #tpu.memory_space<vmem>>[vector<16xi32>], vector<16xf32>,
      %add3A_320 = arith.addf %add3A_278, %gather3A_319 : vector<16xf32>
      %get3A_321 = arith.index_cast %scan3A_285 : i32 to index
      %get3A_322 = arith.constant 112 : index
      %get3A_323 = tpu.vector_load %arg8[%get3A_321, %get3A_322] {strides = array<i32>} : memref<50x128xi32, #tpu.memory_space<vmem>>, vector<16xi32>,
      %gather3A_324 = tpu.vector_load_idx %arg7[%get3A_323] : memref<100000xf32, #tpu.memory_space<vmem>>[vector<16xi32>], vector<16xf32>,
      %add3A_325 = arith.addf %add3A_283, %gather3A_324 : vector<16xf32>
      %scan3A_326 = arith.constant 4 : i32
      %scan3A_327 = arith.addi %scan3A_152, %scan3A_326 : i32
      %get3A_328 = arith.index_cast %scan3A_327 : i32 to index
      %get3A_329 = arith.constant 0 : index
      %get3A_330 = tpu.vector_load %arg8[%get3A_328, %get3A_329] {strides = array<i32>} : memref<50x128xi32, #tpu.memory_space<vmem>>, vector<16xi32>,
      %gather3A_331 = tpu.vector_load_idx %arg7[%get3A_330] : memref<100000xf32, #tpu.memory_space<vmem>>[vector<16xi32>], vector<16xf32>,
      %add3A_332 = arith.addf %add3A_290, %gather3A_331 : vector<16xf32>
      %get3A_333 = arith.index_cast %scan3A_327 : i32 to index
      %get3A_334 = arith.constant 16 : index
      %get3A_335 = tpu.vector_load %arg8[%get3A_333, %get3A_334] {strides = array<i32>} : memref<50x128xi32, #tpu.memory_space<vmem>>, vector<16xi32>,
      %gather3A_336 = tpu.vector_load_idx %arg7[%get3A_335] : memref<100000xf32, #tpu.memory_space<vmem>>[vector<16xi32>], vector<16xf32>,
      %add3A_337 = arith.addf %add3A_295, %gather3A_336 : vector<16xf32>
      %get3A_338 = arith.index_cast %scan3A_327 : i32 to index
      %get3A_339 = arith.constant 32 : index
      %get3A_340 = tpu.vector_load %arg8[%get3A_338, %get3A_339] {strides = array<i32>} : memref<50x128xi32, #tpu.memory_space<vmem>>, vector<16xi32>,
      %gather3A_341 = tpu.vector_load_idx %arg7[%get3A_340] : memref<100000xf32, #tpu.memory_space<vmem>>[vector<16xi32>], vector<16xf32>,
      %add3A_342 = arith.addf %add3A_300, %gather3A_341 : vector<16xf32>
      %get3A_343 = arith.index_cast %scan3A_327 : i32 to index
      %get3A_344 = arith.constant 48 : index
      %get3A_345 = tpu.vector_load %arg8[%get3A_343, %get3A_344] {strides = array<i32>} : memref<50x128xi32, #tpu.memory_space<vmem>>, vector<16xi32>,
      %gather3A_346 = tpu.vector_load_idx %arg7[%get3A_345] : memref<100000xf32, #tpu.memory_space<vmem>>[vector<16xi32>], vector<16xf32>,
      %add3A_347 = arith.addf %add3A_305, %gather3A_346 : vector<16xf32>
      %get3A_348 = arith.index_cast %scan3A_327 : i32 to index
      %get3A_349 = arith.constant 64 : index
      %get3A_350 = tpu.vector_load %arg8[%get3A_348, %get3A_349] {strides = array<i32>} : memref<50x128xi32, #tpu.memory_space<vmem>>, vector<16xi32>,
      %gather3A_351 = tpu.vector_load_idx %arg7[%get3A_350] : memref<100000xf32, #tpu.memory_space<vmem>>[vector<16xi32>], vector<16xf32>,
      %add3A_352 = arith.addf %add3A_310, %gather3A_351 : vector<16xf32>
      %get3A_353 = arith.index_cast %scan3A_327 : i32 to index
      %get3A_354 = arith.constant 80 : index
      %get3A_355 = tpu.vector_load %arg8[%get3A_353, %get3A_354] {strides = array<i32>} : memref<50x128xi32, #tpu.memory_space<vmem>>, vector<16xi32>,
      %gather3A_356 = tpu.vector_load_idx %arg7[%get3A_355] : memref<100000xf32, #tpu.memory_space<vmem>>[vector<16xi32>], vector<16xf32>,
      %add3A_357 = arith.addf %add3A_315, %gather3A_356 : vector<16xf32>
      %get3A_358 = arith.index_cast %scan3A_327 : i32 to index
      %get3A_359 = arith.constant 96 : index
      %get3A_360 = tpu.vector_load %arg8[%get3A_358, %get3A_359] {strides = array<i32>} : memref<50x128xi32, #tpu.memory_space<vmem>>, vector<16xi32>,
      %gather3A_361 = tpu.vector_load_idx %arg7[%get3A_360] : memref<100000xf32, #tpu.memory_space<vmem>>[vector<16xi32>], vector<16xf32>,
      %add3A_362 = arith.addf %add3A_320, %gather3A_361 : vector<16xf32>
      %get3A_363 = arith.index_cast %scan3A_327 : i32 to index
      %get3A_364 = arith.constant 112 : index
      %get3A_365 = tpu.vector_load %arg8[%get3A_363, %get3A_364] {strides = array<i32>} : memref<50x128xi32, #tpu.memory_space<vmem>>, vector<16xi32>,
      %gather3A_366 = tpu.vector_load_idx %arg7[%get3A_365] : memref<100000xf32, #tpu.memory_space<vmem>>[vector<16xi32>], vector<16xf32>,
      %add3A_367 = arith.addf %add3A_325, %gather3A_366 : vector<16xf32>
      scf.yield %add3A_332, %add3A_337, %add3A_342, %add3A_347, %add3A_352, %add3A_357, %add3A_362, %add3A_367 : vector<16xf32>, vector<16xf32>, vector<16xf32>, vector<16xf32>, vector<16xf32>, vector<16xf32>, vector<16xf32>, vector<16xf32>
    }
    %scan3A_10 = arith.constant 50 : i32
    %get3A = arith.constant 0 : index
    %get3A_11 = tpu.vector_load %arg9[%get3A] {strides = array<i32>} : memref<128xf32, #tpu.memory_space<vmem>>, vector<16xf32>,
    %div3A = arith.divf %scan3A_9#0, %get3A_11 : vector<16xf32>
    %get3A_12 = arith.constant 0 : index
    %get3A_13 = tpu.vector_load %arg10[%get3A_12] {strides = array<i32>} : memref<16xf32, #tpu.memory_space<vmem>>, vector<16xf32>,
    %add3A_14 = arith.addf %div3A, %get3A_13 : vector<16xf32>
    %neg3A = arith.constant 0.000000e+00 : f32
    %neg3A_15 = vector.broadcast %neg3A : f32 to vector<16xf32>
    %neg3A_16 = arith.subf %neg3A_15, %add3A_14 : vector<16xf32>
    %exp3A = math.exp %neg3A_16 : vector<16xf32>
    %add3A_17 = arith.constant 1.000000e+00 : f32
    %add3A_18 = vector.broadcast %add3A_17 : f32 to vector<16xf32>
    %add3A_19 = arith.addf %add3A_18, %exp3A : vector<16xf32>
    %div3A_20 = arith.constant 1.000000e+00 : f32
    %div3A_21 = vector.broadcast %div3A_20 : f32 to vector<16xf32>
    %div3A_22 = arith.divf %div3A_21, %add3A_19 : vector<16xf32>
    %swap3A = arith.constant 0 : index
    %swap3A_23 = tpu.vector_load %arg11[%swap3A] {strides = array<i32>} : memref<128xf32, #tpu.memory_space<vmem>>, vector<16xf32>,
    tpu.vector_store %arg11[%swap3A], %div3A_22 {strides = array<i32>} : memref<128xf32, #tpu.memory_space<vmem>>, vector<16xf32>,
    %get3A_24 = arith.constant 16 : index
    %get3A_25 = tpu.vector_load %arg9[%get3A_24] {strides = array<i32>} : memref<128xf32, #tpu.memory_space<vmem>>, vector<16xf32>,
    %div3A_26 = arith.divf %scan3A_9#1, %get3A_25 : vector<16xf32>
    %get3A_27 = arith.constant 0 : index
    %get3A_28 = tpu.vector_load %arg10[%get3A_27] {strides = array<i32>} : memref<16xf32, #tpu.memory_space<vmem>>, vector<16xf32>,
    %add3A_29 = arith.addf %div3A_26, %get3A_28 : vector<16xf32>
    %neg3A_30 = arith.constant 0.000000e+00 : f32
    %neg3A_31 = vector.broadcast %neg3A_30 : f32 to vector<16xf32>
    %neg3A_32 = arith.subf %neg3A_31, %add3A_29 : vector<16xf32>
    %exp3A_33 = math.exp %neg3A_32 : vector<16xf32>
    %add3A_34 = arith.constant 1.000000e+00 : f32
    %add3A_35 = vector.broadcast %add3A_34 : f32 to vector<16xf32>
    %add3A_36 = arith.addf %add3A_35, %exp3A_33 : vector<16xf32>
    %div3A_37 = arith.constant 1.000000e+00 : f32
    %div3A_38 = vector.broadcast %div3A_37 : f32 to vector<16xf32>
    %div3A_39 = arith.divf %div3A_38, %add3A_36 : vector<16xf32>
    %swap3A_40 = arith.constant 16 : index
    %swap3A_41 = tpu.vector_load %arg11[%swap3A_40] {strides = array<i32>} : memref<128xf32, #tpu.memory_space<vmem>>, vector<16xf32>,
    tpu.vector_store %arg11[%swap3A_40], %div3A_39 {strides = array<i32>} : memref<128xf32, #tpu.memory_space<vmem>>, vector<16xf32>,
    %get3A_42 = arith.constant 32 : index
    %get3A_43 = tpu.vector_load %arg9[%get3A_42] {strides = array<i32>} : memref<128xf32, #tpu.memory_space<vmem>>, vector<16xf32>,
    %div3A_44 = arith.divf %scan3A_9#2, %get3A_43 : vector<16xf32>
    %get3A_45 = arith.constant 0 : index
    %get3A_46 = tpu.vector_load %arg10[%get3A_45] {strides = array<i32>} : memref<16xf32, #tpu.memory_space<vmem>>, vector<16xf32>,
    %add3A_47 = arith.addf %div3A_44, %get3A_46 : vector<16xf32>
    %neg3A_48 = arith.constant 0.000000e+00 : f32
    %neg3A_49 = vector.broadcast %neg3A_48 : f32 to vector<16xf32>
    %neg3A_50 = arith.subf %neg3A_49, %add3A_47 : vector<16xf32>
    %exp3A_51 = math.exp %neg3A_50 : vector<16xf32>
    %add3A_52 = arith.constant 1.000000e+00 : f32
    %add3A_53 = vector.broadcast %add3A_52 : f32 to vector<16xf32>
    %add3A_54 = arith.addf %add3A_53, %exp3A_51 : vector<16xf32>
    %div3A_55 = arith.constant 1.000000e+00 : f32
    %div3A_56 = vector.broadcast %div3A_55 : f32 to vector<16xf32>
    %div3A_57 = arith.divf %div3A_56, %add3A_54 : vector<16xf32>
    %swap3A_58 = arith.constant 32 : index
    %swap3A_59 = tpu.vector_load %arg11[%swap3A_58] {strides = array<i32>} : memref<128xf32, #tpu.memory_space<vmem>>, vector<16xf32>,
    tpu.vector_store %arg11[%swap3A_58], %div3A_57 {strides = array<i32>} : memref<128xf32, #tpu.memory_space<vmem>>, vector<16xf32>,
    %get3A_60 = arith.constant 48 : index
    %get3A_61 = tpu.vector_load %arg9[%get3A_60] {strides = array<i32>} : memref<128xf32, #tpu.memory_space<vmem>>, vector<16xf32>,
    %div3A_62 = arith.divf %scan3A_9#3, %get3A_61 : vector<16xf32>
    %get3A_63 = arith.constant 0 : index
    %get3A_64 = tpu.vector_load %arg10[%get3A_63] {strides = array<i32>} : memref<16xf32, #tpu.memory_space<vmem>>, vector<16xf32>,
    %add3A_65 = arith.addf %div3A_62, %get3A_64 : vector<16xf32>
    %neg3A_66 = arith.constant 0.000000e+00 : f32
    %neg3A_67 = vector.broadcast %neg3A_66 : f32 to vector<16xf32>
    %neg3A_68 = arith.subf %neg3A_67, %add3A_65 : vector<16xf32>
    %exp3A_69 = math.exp %neg3A_68 : vector<16xf32>
    %add3A_70 = arith.constant 1.000000e+00 : f32
    %add3A_71 = vector.broadcast %add3A_70 : f32 to vector<16xf32>
    %add3A_72 = arith.addf %add3A_71, %exp3A_69 : vector<16xf32>
    %div3A_73 = arith.constant 1.000000e+00 : f32
    %div3A_74 = vector.broadcast %div3A_73 : f32 to vector<16xf32>
    %div3A_75 = arith.divf %div3A_74, %add3A_72 : vector<16xf32>
    %swap3A_76 = arith.constant 48 : index
    %swap3A_77 = tpu.vector_load %arg11[%swap3A_76] {strides = array<i32>} : memref<128xf32, #tpu.memory_space<vmem>>, vector<16xf32>,
    tpu.vector_store %arg11[%swap3A_76], %div3A_75 {strides = array<i32>} : memref<128xf32, #tpu.memory_space<vmem>>, vector<16xf32>,
    %get3A_78 = arith.constant 64 : index
    %get3A_79 = tpu.vector_load %arg9[%get3A_78] {strides = array<i32>} : memref<128xf32, #tpu.memory_space<vmem>>, vector<16xf32>,
    %div3A_80 = arith.divf %scan3A_9#4, %get3A_79 : vector<16xf32>
    %get3A_81 = arith.constant 0 : index
    %get3A_82 = tpu.vector_load %arg10[%get3A_81] {strides = array<i32>} : memref<16xf32, #tpu.memory_space<vmem>>, vector<16xf32>,
    %add3A_83 = arith.addf %div3A_80, %get3A_82 : vector<16xf32>
    %neg3A_84 = arith.constant 0.000000e+00 : f32
    %neg3A_85 = vector.broadcast %neg3A_84 : f32 to vector<16xf32>
    %neg3A_86 = arith.subf %neg3A_85, %add3A_83 : vector<16xf32>
    %exp3A_87 = math.exp %neg3A_86 : vector<16xf32>
    %add3A_88 = arith.constant 1.000000e+00 : f32
    %add3A_89 = vector.broadcast %add3A_88 : f32 to vector<16xf32>
    %add3A_90 = arith.addf %add3A_89, %exp3A_87 : vector<16xf32>
    %div3A_91 = arith.constant 1.000000e+00 : f32
    %div3A_92 = vector.broadcast %div3A_91 : f32 to vector<16xf32>
    %div3A_93 = arith.divf %div3A_92, %add3A_90 : vector<16xf32>
    %swap3A_94 = arith.constant 64 : index
    %swap3A_95 = tpu.vector_load %arg11[%swap3A_94] {strides = array<i32>} : memref<128xf32, #tpu.memory_space<vmem>>, vector<16xf32>,
    tpu.vector_store %arg11[%swap3A_94], %div3A_93 {strides = array<i32>} : memref<128xf32, #tpu.memory_space<vmem>>, vector<16xf32>,
    %get3A_96 = arith.constant 80 : index
    %get3A_97 = tpu.vector_load %arg9[%get3A_96] {strides = array<i32>} : memref<128xf32, #tpu.memory_space<vmem>>, vector<16xf32>,
    %div3A_98 = arith.divf %scan3A_9#5, %get3A_97 : vector<16xf32>
    %get3A_99 = arith.constant 0 : index
    %get3A_100 = tpu.vector_load %arg10[%get3A_99] {strides = array<i32>} : memref<16xf32, #tpu.memory_space<vmem>>, vector<16xf32>,
    %add3A_101 = arith.addf %div3A_98, %get3A_100 : vector<16xf32>
    %neg3A_102 = arith.constant 0.000000e+00 : f32
    %neg3A_103 = vector.broadcast %neg3A_102 : f32 to vector<16xf32>
    %neg3A_104 = arith.subf %neg3A_103, %add3A_101 : vector<16xf32>
    %exp3A_105 = math.exp %neg3A_104 : vector<16xf32>
    %add3A_106 = arith.constant 1.000000e+00 : f32
    %add3A_107 = vector.broadcast %add3A_106 : f32 to vector<16xf32>
    %add3A_108 = arith.addf %add3A_107, %exp3A_105 : vector<16xf32>
    %div3A_109 = arith.constant 1.000000e+00 : f32
    %div3A_110 = vector.broadcast %div3A_109 : f32 to vector<16xf32>
    %div3A_111 = arith.divf %div3A_110, %add3A_108 : vector<16xf32>
    %swap3A_112 = arith.constant 80 : index
    %swap3A_113 = tpu.vector_load %arg11[%swap3A_112] {strides = array<i32>} : memref<128xf32, #tpu.memory_space<vmem>>, vector<16xf32>,
    tpu.vector_store %arg11[%swap3A_112], %div3A_111 {strides = array<i32>} : memref<128xf32, #tpu.memory_space<vmem>>, vector<16xf32>,
    %get3A_114 = arith.constant 96 : index
    %get3A_115 = tpu.vector_load %arg9[%get3A_114] {strides = array<i32>} : memref<128xf32, #tpu.memory_space<vmem>>, vector<16xf32>,
    %div3A_116 = arith.divf %scan3A_9#6, %get3A_115 : vector<16xf32>
    %get3A_117 = arith.constant 0 : index
    %get3A_118 = tpu.vector_load %arg10[%get3A_117] {strides = array<i32>} : memref<16xf32, #tpu.memory_space<vmem>>, vector<16xf32>,
    %add3A_119 = arith.addf %div3A_116, %get3A_118 : vector<16xf32>
    %neg3A_120 = arith.constant 0.000000e+00 : f32
    %neg3A_121 = vector.broadcast %neg3A_120 : f32 to vector<16xf32>
    %neg3A_122 = arith.subf %neg3A_121, %add3A_119 : vector<16xf32>
    %exp3A_123 = math.exp %neg3A_122 : vector<16xf32>
    %add3A_124 = arith.constant 1.000000e+00 : f32
    %add3A_125 = vector.broadcast %add3A_124 : f32 to vector<16xf32>
    %add3A_126 = arith.addf %add3A_125, %exp3A_123 : vector<16xf32>
    %div3A_127 = arith.constant 1.000000e+00 : f32
    %div3A_128 = vector.broadcast %div3A_127 : f32 to vector<16xf32>
    %div3A_129 = arith.divf %div3A_128, %add3A_126 : vector<16xf32>
    %swap3A_130 = arith.constant 96 : index
    %swap3A_131 = tpu.vector_load %arg11[%swap3A_130] {strides = array<i32>} : memref<128xf32, #tpu.memory_space<vmem>>, vector<16xf32>,
    tpu.vector_store %arg11[%swap3A_130], %div3A_129 {strides = array<i32>} : memref<128xf32, #tpu.memory_space<vmem>>, vector<16xf32>,
    %get3A_132 = arith.constant 112 : index
    %get3A_133 = tpu.vector_load %arg9[%get3A_132] {strides = array<i32>} : memref<128xf32, #tpu.memory_space<vmem>>, vector<16xf32>,
    %div3A_134 = arith.divf %scan3A_9#7, %get3A_133 : vector<16xf32>
    %get3A_135 = arith.constant 0 : index
    %get3A_136 = tpu.vector_load %arg10[%get3A_135] {strides = array<i32>} : memref<16xf32, #tpu.memory_space<vmem>>, vector<16xf32>,
    %add3A_137 = arith.addf %div3A_134, %get3A_136 : vector<16xf32>
    %neg3A_138 = arith.constant 0.000000e+00 : f32
    %neg3A_139 = vector.broadcast %neg3A_138 : f32 to vector<16xf32>
    %neg3A_140 = arith.subf %neg3A_139, %add3A_137 : vector<16xf32>
    %exp3A_141 = math.exp %neg3A_140 : vector<16xf32>
    %add3A_142 = arith.constant 1.000000e+00 : f32
    %add3A_143 = vector.broadcast %add3A_142 : f32 to vector<16xf32>
    %add3A_144 = arith.addf %add3A_143, %exp3A_141 : vector<16xf32>
    %div3A_145 = arith.constant 1.000000e+00 : f32
    %div3A_146 = vector.broadcast %div3A_145 : f32 to vector<16xf32>
    %div3A_147 = arith.divf %div3A_146, %add3A_144 : vector<16xf32>
    %swap3A_148 = arith.constant 112 : index
    %swap3A_149 = tpu.vector_load %arg11[%swap3A_148] {strides = array<i32>} : memref<128xf32, #tpu.memory_space<vmem>>, vector<16xf32>,
    tpu.vector_store %arg11[%swap3A_148], %div3A_147 {strides = array<i32>} : memref<128xf32, #tpu.memory_space<vmem>>, vector<16xf32>,
    %mul3A_150 = arith.constant 128 : i32
    %mul3A_151 = arith.muli %add3A, %mul3A_150 : i32
    "tpu.region"() ({
      %run_scoped3A_152 = tpu.sem_alloc : memref<!tpu.dma_semaphore, #tpu.memory_space<semaphore_mem>>
      %dma_start3A = tpu.memref_slice %arg6[%mul3A_151] : memref<4096xf32, #tpu.memory_space<hbm>> -> memref<128xf32, #tpu.memory_space<hbm>>
      %dma_start3A_153 = tpu.memref_slice %arg6[%mul3A_151] : memref<4096xf32, #tpu.memory_space<hbm>> -> memref<128xf32, #tpu.memory_space<hbm>>
      tpu.enqueue_dma source(%arg11 : memref<128xf32, #tpu.memory_space<vmem>>) target(%dma_start3A_153 : memref<128xf32, #tpu.memory_space<hbm>>) target_semaphore(%run_scoped3A_152 : memref<!tpu.dma_semaphore, #tpu.memory_space<semaphore_mem>>)
      %dma_wait3A = tpu.memref_slice %arg6[%mul3A_151] : memref<4096xf32, #tpu.memory_space<hbm>> -> memref<128xf32, #tpu.memory_space<hbm>>
      %dma_wait3A_154 = tpu.memref_slice %arg6[%mul3A_151] : memref<4096xf32, #tpu.memory_space<hbm>> -> memref<128xf32, #tpu.memory_space<hbm>>
      tpu.wait_dma2 semaphore(%run_scoped3A_152 : memref<!tpu.dma_semaphore, #tpu.memory_space<semaphore_mem>>) src(%arg11 : memref<128xf32, #tpu.memory_space<vmem>>) dst(%dma_wait3A_154 : memref<128xf32, #tpu.memory_space<hbm>>)
      tpu.yield
    }) : () -> ()
    return
  }
}

module attributes {stable_mosaic.version = 14 : i64} {
  func.func @_tc_matvec_body(%arg0: memref<64x100000xf32, #tpu.memory_space<any>>, %arg1: memref<1x64xf32, #tpu.memory_space<vmem>>, %arg2: memref<100000xf32, #tpu.memory_space<vmem>>, %arg3: memref<16x100000xf32, #tpu.memory_space<vmem>>, %arg4: memref<16x100000xf32, #tpu.memory_space<vmem>>, %arg5: memref<16x100000xf32, #tpu.memory_space<vmem>>, %arg6: memref<16x100000xf32, #tpu.memory_space<vmem>>, %arg7: memref<!tpu.dma_semaphore, #tpu.memory_space<semaphore_mem>>, %arg8: memref<!tpu.dma_semaphore, #tpu.memory_space<semaphore_mem>>, %arg9: memref<!tpu.dma_semaphore, #tpu.memory_space<semaphore_mem>>, %arg10: memref<!tpu.dma_semaphore, #tpu.memory_space<semaphore_mem>>) attributes {dimension_semantics = [], scalar_prefetch = 0 : i64, scratch_operands = 8 : i64, tpu.core_type = #tpu.core_type<tc>} {
    %dma_start3A = arith.constant 0 : i32
    %dma_start3A_0 = arith.constant 0 : i32
    %dma_start3A_1 = tpu.memref_slice %arg0[%dma_start3A, %dma_start3A_0] : memref<64x100000xf32, #tpu.memory_space<any>> -> memref<16x100000xf32, #tpu.memory_space<any>>
    tpu.enqueue_dma source(%dma_start3A_1 : memref<16x100000xf32, #tpu.memory_space<any>>) target(%arg3 : memref<16x100000xf32, #tpu.memory_space<vmem>>) target_semaphore(%arg7 : memref<!tpu.dma_semaphore, #tpu.memory_space<semaphore_mem>>)
    %dma_start3A_2 = arith.constant 16 : i32
    %dma_start3A_3 = arith.constant 0 : i32
    %dma_start3A_4 = tpu.memref_slice %arg0[%dma_start3A_2, %dma_start3A_3] : memref<64x100000xf32, #tpu.memory_space<any>> -> memref<16x100000xf32, #tpu.memory_space<any>>
    tpu.enqueue_dma source(%dma_start3A_4 : memref<16x100000xf32, #tpu.memory_space<any>>) target(%arg4 : memref<16x100000xf32, #tpu.memory_space<vmem>>) target_semaphore(%arg8 : memref<!tpu.dma_semaphore, #tpu.memory_space<semaphore_mem>>)
    %dma_start3A_5 = arith.constant 32 : i32
    %dma_start3A_6 = arith.constant 0 : i32
    %dma_start3A_7 = tpu.memref_slice %arg0[%dma_start3A_5, %dma_start3A_6] : memref<64x100000xf32, #tpu.memory_space<any>> -> memref<16x100000xf32, #tpu.memory_space<any>>
    tpu.enqueue_dma source(%dma_start3A_7 : memref<16x100000xf32, #tpu.memory_space<any>>) target(%arg5 : memref<16x100000xf32, #tpu.memory_space<vmem>>) target_semaphore(%arg9 : memref<!tpu.dma_semaphore, #tpu.memory_space<semaphore_mem>>)
    %dma_start3A_8 = arith.constant 48 : i32
    %dma_start3A_9 = arith.constant 0 : i32
    %dma_start3A_10 = tpu.memref_slice %arg0[%dma_start3A_8, %dma_start3A_9] : memref<64x100000xf32, #tpu.memory_space<any>> -> memref<16x100000xf32, #tpu.memory_space<any>>
    tpu.enqueue_dma source(%dma_start3A_10 : memref<16x100000xf32, #tpu.memory_space<any>>) target(%arg6 : memref<16x100000xf32, #tpu.memory_space<vmem>>) target_semaphore(%arg10 : memref<!tpu.dma_semaphore, #tpu.memory_space<semaphore_mem>>)
    %dma_wait3A = arith.constant 0 : i32
    %dma_wait3A_11 = arith.constant 0 : i32
    %dma_wait3A_12 = tpu.memref_slice %arg0[%dma_wait3A, %dma_wait3A_11] : memref<64x100000xf32, #tpu.memory_space<any>> -> memref<16x100000xf32, #tpu.memory_space<any>>
    tpu.wait_dma2 semaphore(%arg7 : memref<!tpu.dma_semaphore, #tpu.memory_space<semaphore_mem>>) src(%dma_wait3A_12 : memref<16x100000xf32, #tpu.memory_space<any>>) dst(%arg3 : memref<16x100000xf32, #tpu.memory_space<vmem>>)
    %get3A = arith.constant 0 : index
    %get3A_13 = arith.constant 0 : index
    %get3A_14 = vector.load %arg1[%get3A, %get3A_13] : memref<1x64xf32, #tpu.memory_space<vmem>>, vector<1x16xf32>
    %get3A_15 = arith.constant 0 : index
    %get3A_16 = arith.constant 0 : index
    %get3A_17 = vector.load %arg3[%get3A_15, %get3A_16] : memref<16x100000xf32, #tpu.memory_space<vmem>>, vector<16x100000xf32>
    %dot_general3A = arith.constant dense<0.000000e+00> : vector<1x100000xf32>
    %dot_general3A_18 = tpu.matmul %get3A_14, %get3A_17, %dot_general3A {dimension_numbers = #tpu.dot_dimension_numbers<[1], [0], [0], [1], [0, 0, 1, 1], [], []>, transpose_lhs_hint = false} : vector<1x16xf32>, vector<16x100000xf32>, vector<1x100000xf32> -> vector<1x100000xf32>
    %dma_wait3A_19 = arith.constant 16 : i32
    %dma_wait3A_20 = arith.constant 0 : i32
    %dma_wait3A_21 = tpu.memref_slice %arg0[%dma_wait3A_19, %dma_wait3A_20] : memref<64x100000xf32, #tpu.memory_space<any>> -> memref<16x100000xf32, #tpu.memory_space<any>>
    tpu.wait_dma2 semaphore(%arg8 : memref<!tpu.dma_semaphore, #tpu.memory_space<semaphore_mem>>) src(%dma_wait3A_21 : memref<16x100000xf32, #tpu.memory_space<any>>) dst(%arg4 : memref<16x100000xf32, #tpu.memory_space<vmem>>)
    %get3A_22 = arith.constant 0 : index
    %get3A_23 = arith.constant 16 : index
    %get3A_24 = vector.load %arg1[%get3A_22, %get3A_23] : memref<1x64xf32, #tpu.memory_space<vmem>>, vector<1x16xf32>
    %get3A_25 = arith.constant 0 : index
    %get3A_26 = arith.constant 0 : index
    %get3A_27 = vector.load %arg4[%get3A_25, %get3A_26] : memref<16x100000xf32, #tpu.memory_space<vmem>>, vector<16x100000xf32>
    %dot_general3A_28 = arith.constant dense<0.000000e+00> : vector<1x100000xf32>
    %dot_general3A_29 = tpu.matmul %get3A_24, %get3A_27, %dot_general3A_28 {dimension_numbers = #tpu.dot_dimension_numbers<[1], [0], [0], [1], [0, 0, 1, 1], [], []>, transpose_lhs_hint = false} : vector<1x16xf32>, vector<16x100000xf32>, vector<1x100000xf32> -> vector<1x100000xf32>
    %add3A = arith.addf %dot_general3A_18, %dot_general3A_29 : vector<1x100000xf32>
    %dma_wait3A_30 = arith.constant 32 : i32
    %dma_wait3A_31 = arith.constant 0 : i32
    %dma_wait3A_32 = tpu.memref_slice %arg0[%dma_wait3A_30, %dma_wait3A_31] : memref<64x100000xf32, #tpu.memory_space<any>> -> memref<16x100000xf32, #tpu.memory_space<any>>
    tpu.wait_dma2 semaphore(%arg9 : memref<!tpu.dma_semaphore, #tpu.memory_space<semaphore_mem>>) src(%dma_wait3A_32 : memref<16x100000xf32, #tpu.memory_space<any>>) dst(%arg5 : memref<16x100000xf32, #tpu.memory_space<vmem>>)
    %get3A_33 = arith.constant 0 : index
    %get3A_34 = arith.constant 32 : index
    %get3A_35 = vector.load %arg1[%get3A_33, %get3A_34] : memref<1x64xf32, #tpu.memory_space<vmem>>, vector<1x16xf32>
    %get3A_36 = arith.constant 0 : index
    %get3A_37 = arith.constant 0 : index
    %get3A_38 = vector.load %arg5[%get3A_36, %get3A_37] : memref<16x100000xf32, #tpu.memory_space<vmem>>, vector<16x100000xf32>
    %dot_general3A_39 = arith.constant dense<0.000000e+00> : vector<1x100000xf32>
    %dot_general3A_40 = tpu.matmul %get3A_35, %get3A_38, %dot_general3A_39 {dimension_numbers = #tpu.dot_dimension_numbers<[1], [0], [0], [1], [0, 0, 1, 1], [], []>, transpose_lhs_hint = false} : vector<1x16xf32>, vector<16x100000xf32>, vector<1x100000xf32> -> vector<1x100000xf32>
    %add3A_41 = arith.addf %add3A, %dot_general3A_40 : vector<1x100000xf32>
    %dma_wait3A_42 = arith.constant 48 : i32
    %dma_wait3A_43 = arith.constant 0 : i32
    %dma_wait3A_44 = tpu.memref_slice %arg0[%dma_wait3A_42, %dma_wait3A_43] : memref<64x100000xf32, #tpu.memory_space<any>> -> memref<16x100000xf32, #tpu.memory_space<any>>
    tpu.wait_dma2 semaphore(%arg10 : memref<!tpu.dma_semaphore, #tpu.memory_space<semaphore_mem>>) src(%dma_wait3A_44 : memref<16x100000xf32, #tpu.memory_space<any>>) dst(%arg6 : memref<16x100000xf32, #tpu.memory_space<vmem>>)
    %get3A_45 = arith.constant 0 : index
    %get3A_46 = arith.constant 48 : index
    %get3A_47 = vector.load %arg1[%get3A_45, %get3A_46] : memref<1x64xf32, #tpu.memory_space<vmem>>, vector<1x16xf32>
    %get3A_48 = arith.constant 0 : index
    %get3A_49 = arith.constant 0 : index
    %get3A_50 = vector.load %arg6[%get3A_48, %get3A_49] : memref<16x100000xf32, #tpu.memory_space<vmem>>, vector<16x100000xf32>
    %dot_general3A_51 = arith.constant dense<0.000000e+00> : vector<1x100000xf32>
    %dot_general3A_52 = tpu.matmul %get3A_47, %get3A_50, %dot_general3A_51 {dimension_numbers = #tpu.dot_dimension_numbers<[1], [0], [0], [1], [0, 0, 1, 1], [], []>, transpose_lhs_hint = false} : vector<1x16xf32>, vector<16x100000xf32>, vector<1x100000xf32> -> vector<1x100000xf32>
    %add3A_53 = arith.addf %add3A_41, %dot_general3A_52 : vector<1x100000xf32>
    %squeeze3A = vector.shape_cast %add3A_53 : vector<1x100000xf32> to vector<100000xf32>
    %swap3A = arith.constant 0 : index
    %swap3A_54 = vector.load %arg2[%swap3A] : memref<100000xf32, #tpu.memory_space<vmem>>, vector<100000xf32>
    tpu.vector_store %arg2[%swap3A], %squeeze3A {strides = array<i32>} : memref<100000xf32, #tpu.memory_space<vmem>>, vector<100000xf32>,
    return
  }
}

</mosaic_0001>

<sc_bundles>
// kernel: kernel.4.cloned.1.call-start
scs
__scs_entry_jumppad:
0x0: {  	(pc) =	sbr.rel $0x88, $3  }
0x1: {  	(tag) =	ssettag $0x0;
	lr =	simm.s32 $0x1  }
0x2: {  	[smem:$0x3F9C] =	sst lr;
	_ =	strace $0xD0000000  }
0x3: {  	_ = 	snop  }
0x4: {  	_ = 	snop  }
0x5: {  	_ = 	snop  }
0x6: {  	_ = 	snop  }
0x7: {  	_ = 	snop  }
__scs_overlays_trampoline_lowered:
0x8: {  	[smem:$0x3FAB] =	sst s0  }
0x9: {  	[smem:$0x3FAC] =	sst s1  }
0xa: {  	[smem:$0x3FAD] =	sst s2  }
0xb: {  	[smem:$0x3FAE] =	sst s3  }
0xc: {  	[smem:$0x3FAF] =	sst s4  }
0xd: {  	[smem:$0x3FB0] =	sst s5  }
0xe: {  	[smem:$0x3FB1] =	sst s6  }
0xf: {  	[smem:$0x3FB2] =	sst s7  }
0x10: {  	[smem:$0x3FB3] =	sst s8  }
0x11: {  	[smem:$0x3FB4] =	sst s9;
	s0 =	simm.s32 @!p0 $0x0  }
0x12: {  	s1 =	sld [smem:$0x3F9A];
	s0 =	simm.s32 @p0 $0x1  }
0x13: {  	[smem:$0x3FB5] =	sst s0;
	s0 =	simm.s32 @!p1 $0x0  }
0x14: {  	s2 =	sld [smem:$0x3F99];
	s0 =	simm.s32 @p1 $0x1  }
0x15: {  	[smem:$0x3FB6] =	sst s0;
	s0 =	simm.s32 @!p2 $0x0  }
0x16: {  	s3 =	sld [smem:$0x3FDB];
	s0 =	simm.s32 @p2 $0x1  }
0x17: {  	s4 =	simm.s32 $0x1BF5;
	[smem:$0x3FB8] =	sst s0  }
0x18: {  	s0 =	sld [smem:$0x3F9B];
	_ =	swait.ge [sflag:s4], $0x0  }
0x19: {  	s7 =	sld [smem:$0x3F9C]  }
0x1a: {  	s8 =	sadd.s32 $0xFFFFE003, lr  }
0x1b: {  	s9 =	sadd.s32 $0xFFFFFEF7, lr;
	s5 =	simm.s32 $0xFFFFFFFF;
	p2 =	slt.u32 s8, $0xFFFFF086  }
0x1c: {  	p1 =	slt.u32 s9, $0xF7A;
	s5 =	simm.s32 @!p2 $0x0  }
0x1d: {  	s5 =	simm.s32 @p1 $0x1;
	p0 =	seq.s32 s7, s2  }
0x1e: {  	s7 =	smul.u32 @!p0 $0xF7A, s2;
	p2 =	seq.s32 @!p0 s5, $0x0  }
0x1f: {  	s9 =	smul.u32 $0xF7A, s1;
	s8 =	simm.s32 @!p0 $0x1BF5;
	p2 =	por !p2, p0  }
0x20: {  	[sflag:s8] =	ssyncset.s32 @!p0 $0xFFFFF086;
	s6 =	sadd.s32 @!p0 s3, s7;
	s7 =	simm.s32 @!p0 $0x108  }
0x21: {  	s3 =	sadd.s32 s3, s9;
	s6 =	sadd.s32 @!p0 $0x88, s6;
	s7 =	simm.s32 @p2 $0x1082  }
0x22: {  	[simem:s7], [sflag:s8] =	dma.local @!p0 [hbm:s6], $0xF7A  }
0x23: {  	s9 =	sor.u32 $0xD0000000, s2;
	s6 =	simm.s32 $0x108;
	_ =	swait.ge @!p0 [sflag:s8], $0x0  }
0x24: {  	s3 =	sadd.s32 $0x88, s3;
	s6 =	simm.s32 @!p1 $0x1082;
	[sflag:s4] =	ssyncset.s32 $0xFFFFF086  }
0x25: {  	[simem:s6], [sflag:s4] =	dma.local [hbm:s3], $0xF7A  }
0x26: {  	[smem:$0x3F9C] =	sst s1;
	(tag) =	ssettag s2;
	_ =	strace s9  }
0x27: {  	s1 =	sld [smem:$0x3FAC]  }
0x28: {  	s2 =	sld [smem:$0x3FAD]  }
0x29: {  	s4 =	sld [smem:$0x3FAF]  }
0x2a: {  	p0 =	seq.s32 s5, $0x0;
	s5 =	sld [smem:$0x3FB0]  }
0x2b: {  	s6 =	sld [smem:$0x3FB1]  }
0x2c: {  	s7 =	sld [smem:$0x3FB2]  }
0x2d: {  	s3 =	simm.s32 $0x108;
	s8 =	sld [smem:$0x3FB3]  }
0x2e: {  	s3 =	simm.s32 @!p0 $0x1082;
	s9 =	sld [smem:$0x3FB4]  }
0x2f: {  	lr =	sadd.s32 s0, s3;
	s0 =	sld [smem:$0x3FAB]  }
0x30: {  	s3 =	sld [smem:$0x3FAE]  }
0x31: {  	[smem:$0x3FB7] =	sst s10  }
0x32: {  	s10 =	sld [smem:$0x3FB5];
	_ =	sdelay $0x3  }
0x33: {  	p0 =	seq.s32 s10, $0x1;
	s10 =	sld [smem:$0x3FB7];
	_ =	sdelay $0x3  }
0x34: {  	[smem:$0x3FB7] =	sst s10  }
0x35: {  	s10 =	sld [smem:$0x3FB6];
	_ =	sdelay $0x3  }
0x36: {  	p1 =	seq.s32 s10, $0x1;
	s10 =	sld [smem:$0x3FB7];
	_ =	sdelay $0x3  }
0x37: {  	[smem:$0x3FB7] =	sst s10  }
0x38: {  	s10 =	sld [smem:$0x3FB8]  }
0x39: {  	_ = 	snop;
	(pc) =	sbr.ind lr, $3  }
0x3a: {  	_ = 	snop  }
0x3b: {  	_ = 	snop  }
0x3c: {  	p2 =	seq.s32 s10, $0x1;
	s10 =	sld [smem:$0x3FB7]  }
0x3d: {  	_ =	shalt  }
0x3e: {  	_ =	shalt  }
0x3f: {  	_ =	shalt  }
0x40: {  	_ =	shalt  }
0x41: {  	_ =	shalt  }
0x42: {  	_ =	shalt  }
0x43: {  	_ =	shalt  }
0x44: {  	_ =	shalt  }
0x45: {  	_ =	shalt  }
0x46: {  	_ =	shalt  }
0x47: {  	_ =	shalt  }
0x48: {  	_ =	shalt  }
0x49: {  	_ =	shalt  }
0x4a: {  	_ =	shalt  }
0x4b: {  	_ =	shalt  }
0x4c: {  	_ =	shalt  }
0x4d: {  	_ =	shalt  }
0x4e: {  	_ =	shalt  }
0x4f: {  	_ =	shalt  }
0x50: {  	_ =	shalt  }
0x51: {  	_ =	shalt  }
0x52: {  	_ =	shalt  }
0x53: {  	_ =	shalt  }
0x54: {  	_ =	shalt  }
0x55: {  	_ =	shalt  }
0x56: {  	_ =	shalt  }
0x57: {  	_ =	shalt  }
0x58: {  	_ =	shalt  }
0x59: {  	_ =	shalt  }
0x5a: {  	_ =	shalt  }
0x5b: {  	_ =	shalt  }
0x5c: {  	_ =	shalt  }
0x5d: {  	_ =	shalt  }
0x5e: {  	_ =	shalt  }
0x5f: {  	_ =	shalt  }
0x60: {  	_ =	shalt  }
0x61: {  	_ =	shalt  }
0x62: {  	_ =	shalt  }
0x63: {  	_ =	shalt  }
0x64: {  	_ =	shalt  }
0x65: {  	_ =	shalt  }
0x66: {  	_ =	shalt  }
0x67: {  	_ =	shalt  }
0x68: {  	_ =	shalt  }
0x69: {  	_ =	shalt  }
0x6a: {  	_ =	shalt  }
0x6b: {  	_ =	shalt  }
0x6c: {  	_ =	shalt  }
0x6d: {  	_ =	shalt  }
0x6e: {  	_ =	shalt  }
0x6f: {  	_ =	shalt  }
0x70: {  	_ =	shalt  }
0x71: {  	_ =	shalt  }
0x72: {  	_ =	shalt  }
0x73: {  	_ =	shalt  }
0x74: {  	_ =	shalt  }
0x75: {  	_ =	shalt  }
0x76: {  	_ =	shalt  }
0x77: {  	_ =	shalt  }
0x78: {  	_ =	shalt  }
0x79: {  	_ =	shalt  }
0x7a: {  	_ =	shalt  }
0x7b: {  	_ =	shalt  }
0x7c: {  	_ =	shalt  }
0x7d: {  	_ =	shalt  }
0x7e: {  	_ =	shalt  }
0x7f: {  	_ =	shalt  }
0x80: {  	_ =	shalt  }
0x81: {  	_ =	shalt  }
0x82: {  	_ =	shalt  }
0x83: {  	_ =	shalt  }
0x84: {  	_ =	shalt  }
0x85: {  	_ =	shalt  }
0x86: {  	_ =	shalt  }
0x87: {  	_ =	shalt  }
.Lfunc_end0:
.L_simem_size_0:
called_computation_lowered:
.L_overlay_start_0:
0x88: {  	s2 =	sld [smem:$0x3FD9]  }
0x89: {  	s3 =	sld [smem:$0x3FFE];
	_ =	sdelay $0x1  }
0x8a: {  	s1 =	srdreg.scid  }
0x8b: {  	s0 =	sand.u32 $0x1, s1  }
0x8c: {  	s17 =	sshll.u32 s0, $0xA;
	s2 =	sadd.s32 s3, s2  }
0x8d: {  	s2 =	sadd.s32 s2, s17  }
0x8e: {  	[smem:$0x3FC3] =	sst s2  }
0x8f: {  	_ = 	snop  }
0x90: {  	s2 =	sld [smem:$0x3FC9]  }
0x91: {  	s18 =	sld [smem:$0x3FC8]  }
0x92: {  	s4 =	sld [smem:$0x3FD0];
	(tm) =	ssettm $0x1  }
0x93: {  	s5 =	sld [smem:$0x3FFB];
	_ =	sdelay $0x3  }
0x94: {  	_ =	strace s5  }
0x95: {  	s5 =	sld [smem:$0x3FFC];
	_ =	sdelay $0x3  }
0x96: {  	_ =	strace s5  }
0x97: {  	s5 =	sld [smem:$0x3FFD];
	_ =	sdelay $0x3  }
0x98: {  	_ =	strace s5  }
0x99: {  	_ =	strace $0x8FFFFFFF  }
0x9a: {  	s19 =	sld [smem:$0x3FDB];
	_ =	sdelay $0x1  }
0x9b: {  	s6 =	simm.s32 $_scs_section_size  }
0x9c: {  	s7 =	simm.s32 $_size__tile_overlayer_lowered;
	s8 =	simm.s32 $_tile_overlayer_lowered  }
0x9d: {  	s22 =	simm.s32 $0x1BFF;
	s21 =	sshll.u32 s8, $0x1;
	s5 =	sadd.s32 s6, s19  }
0x9e: {  	s9 =	simm.s32 $0x0;
	s20 =	sshll.u32 s7, $0x1;
	s7 =	sadd.s32 s21, s5  }
0x9f: {  	[timem:s9], [sflag:s22] =	dma.local [hbm:s7], s20  }
0xa0: {  	_ =	swait.ge [sflag:s22], s20  }
0xa1: {  	s6 =	ssub.s32 $0x0, s20;
	[sflag:s22] =	ssyncset.done $0x0  }
0xa2: {  	[sflag:s22] =	ssyncadd.s32 s6;
	_ =	sdelay $0x1  }
0xa3: {  	s23 =	simm.s32 $0x1B8B  }
0xa4: {  	_ =	swait.ge [sflag:s23], $0x1  }
0xa5: {  	[sflag:s23] =	ssyncset.done $0x0  }
0xa6: {  	s25 =	simm.s32 $0x1B8E;
	s24 =	sld [smem:$0x3FFE];
	[sflag:s23] =	ssyncadd.s32 $0xFFFFFFFF  }
0xa7: {  	s26 =	simm.s32 $execute0_lowered;
	[smem:$0x3FD2] =	sst s25  }
0xa8: {  	s7 =	sshll.u32 s26, $0x1;
	_ =	strace $0x80000046;
	[dreg:$0x1] =	wrdreg $0xFFFFFFFF  }
0xa9: {  	s28 =	simm.s32 $_size_execute0_lowered;
	s5 =	sadd.s32 s5, s7;
	[dreg:$0x0] =	wrdreg $0x0  }
0xaa: {  	s7 =	sshll.u32 s28, $0x1;
	[dreg:$0x2] =	wrdreg s5  }
0xab: {  	[dreg:$0x3] =	wrdreg s7  }
0xac: {  	[dreg:$0x4] =	wrdreg $0xC0  }
0xad: {  	_ =	task [dreg:s9], $0x5FFFF  }
0xae: {  	[dreg:$0x1] =	wrdreg $0xFFFFFFFF  }
0xaf: {  	[dreg:$0x0] =	wrdreg $0x60  }
0xb0: {  	[dreg:$0x2] =	wrdreg s24  }
0xb1: {  	[dreg:$0x3] =	wrdreg s2  }
0xb2: {  	[dreg:$0x4] =	wrdreg s18  }
0xb3: {  	[dreg:$0x5] =	wrdreg s4  }
0xb4: {  	[dreg:$0x6] =	wrdreg $0x9  }
0xb5: {  	_ =	task.clear_ibuf [dreg:s9], $0x7FFFF;
	_ =	strace $0x90000046  }
0xb6: {  	s29 =	simm.s32 $0x9;
	_ =	strace $0x80000048  }
0xb7: {  	_ =	swait.ge [sflag:s29], $0x1  }
0xb8: {  	[sflag:s29] =	ssyncadd.s32 $0xFFFFFFFF  }
0xb9: {  	_ =	strace $0x90000048  }
0xba: {  	_ =	sfence  }
0xbb: {  	s30 =	sld [smem:$0x0];
	_ =	sdelay $0x2  }
0xbc: {  	s31 =	sshll.u32 s1, $0xD;
	s1 =	sshrl.u32 s1, $0x2  }
0xbd: {  	s3 =	sand.u32 $0x4000, s31;
	s1 =	sadd.s32 s1, s30  }
0xbe: {  	s0 =	sor.u32 s3, s0;
	s1 =	sshll.u32 s1, $0x11  }
0xbf: {  	s0 =	sor.u32 s1, s0  }
0xc0: {  	s0 =	sadd.s32 $0x8F2B, s0  }
0xc1: {  	[sflag:s0] =	ssyncadd.remote.s32 $0x1  }
0xc2: {  	_ =	sfence.sel $0xFFFF  }
0xc3: {  	[dreg:$0x0] =	wrdreg $0xFFFFFFFF;
	(pc) =	sbr.abs _section_cstart, $3  }
0xc4: {  	[dreg:$0x1] =	wrdreg $0xFFFFFFFF  }
0xc5: {  	_ =	task.clear_ibuf [dreg:s9], $0x2FFFF;
	_ =	strace $0x9FFFFFFF  }
0xc6: {  	(tm) =	ssettm $0x7FFFFFFF  }
0xc7: {  	_ =	shalt  }
tec
execute0_lowered:
.L_overlay_start_1:
0x0: {  	(tag) =	ssettag $0x1  }
0x1: {  	s4 =	rddreg [dreg:$0x0]  }
0x2: {  	s5 =	rddreg [dreg:$0x1]  }
0x3: {  	s7 =	rddreg [dreg:$0x2]  }
0x4: {  	s8 =	rddreg [dreg:$0x3]  }
0x5: {  	s0 =	rddreg [dreg:$0x4]  }
0x6: {  	s2 =	simm.s32 $0x0;
	s3 =	srdreg.scid;
	s1 =	stileid.u32  }
0x7: {  	s12 =	simm.s32 $0x18700;
	s13 =	simm.s32 $0x19F00;
	s14 =	simm.s32 $0x2  }
0x8: {  	s15 =	simm.s32 $0x1A300;
	s16 =	simm.s32 $0x1A380;
	s17 =	simm.s32 $0x1  }
0x9: {  	s18 =	simm.s32 $0x1A400;
	s19 =	simm.s32 $0x0;
	[smem:$0x7FF] =	sst s2  }
0xa: {  	s6 =	sand.u32 $0x1, s3;
	s9 =	sshll.u32 s1, $0x1;
	s3 =	sadd.s32 $0x800, s4  }
0xb: {  	s4 =	sadd.s32 $0x3A00, s4;
	s9 =	sor.u32 s6, s9;
	s6 =	ssub.s32 $0x2, s6  }
0xc: {  	_ =	strace $0x80000047;
	s10 =	sshll.u32 s9, $0x7;
	s11 =	sshrl.u32 s6, $0x1  }
0xd: {  	s9 =	sshll.u32 s9, $0x4;
	s5 =	sadd.s32 s5, s10;
	s31 =	ssub.s32 s6, s11  }
0xe: {  	s7 =	sadd.s32 s7, s9;
	s8 =	sadd.s32 s8, s9;
	s10 =	simm.s32 $0x400  }
0xf: {  	s11 =	simm.s32 $0x8000;
	s6 =	sadd.s32 $0x6000, s5;
	s9 =	smax.u32 s31, $0x1  }
.LBB2_1:
0x10: {  	[tilespmem:s2], [sflag:$0x1] =	stream.linear.gather [hbm4b:s3+s2], $0x18700, $0x38;
	[tilespmem:$0x1A480] =	vst v63  }
0x11: {  	_ = 	snop  }
0x12: {  	[tilespmem:s12], [sflag:$0x2] =	stream.strided.gather [hbm4b:s5+s10], $0x1800, s11, s10, $0x38;
	[tilespmem:$0x1A480] =	vst v63  }
0x13: {  	_ = 	snop  }
0x14: {  	[tilespmem:s13], [sflag:$0x2] =	stream.linear.gather [hbm4b:s6+s2], $0x100, $0x38;
	[tilespmem:$0x1A480] =	vst v63  }
0x15: {  	_ =	swait.ge [sflag:s14], $0x1900  }
0x16: {  	[sflag:s14] =	ssyncset.done $0x0  }
0x17: {  	[sflag:s14] =	ssyncadd.s32 $0xFFFFE700  }
0x18: {  	[tilespmem:s15], [sflag:$0x2] =	stream.linear.gather [hbm4b:s7+s2], $0x80, $0x38;
	[tilespmem:$0x1A480] =	vst v63  }
0x19: {  	_ =	swait.ge [sflag:s14], $0x80  }
0x1a: {  	[sflag:s14] =	ssyncset.done $0x0  }
0x1b: {  	[sflag:s14] =	ssyncadd.s32 $0xFFFFFF80  }
0x1c: {  	[tilespmem:s16], [sflag:$0x2] =	stream.linear.gather [hbm4b:s4+s2], $0x80, $0x38;
	[tilespmem:$0x1A480] =	vst v63  }
0x1d: {  	_ =	swait.ge [sflag:s14], $0x80  }
0x1e: {  	[sflag:s14] =	ssyncset.done $0x0  }
0x1f: {  	[sflag:s14] =	ssyncadd.s32 $0xFFFFFF80  }
0x20: {  	_ =	swait.ge [sflag:s17], $0x18700  }
0x21: {  	[sflag:s17] =	ssyncset.done $0x0  }
0x22: {  	s20 =	simm.s32 $0x18840;
	[sflag:s17] =	ssyncadd.s32 $0xFFFE7900  }
0x23: {  	v0 =	vld [tilespmem:s20+$0xC0]  }
0x24: {  	v1 =	vld [tilespmem:s20+$0xD0]  }
0x25: {  	v2 =	vld [tilespmem:s20+$0xE0]  }
0x26: {  	v3 =	vld [tilespmem:s20+$0xF0]  }
0x27: {  	v4 =	vld [tilespmem:s20+$0x100]  }
0x28: {  	v5 =	vld [tilespmem:s20+$0x110]  }
0x29: {  	v9 =	vld [tilespmem:s20+$0x120]  }
0x2a: {  	v20 =	vld [tilespmem:s20+$0x130]  }
0x2b: {  	v6 =	vld [tilespmem:s20+$0x40]  }
0x2c: {  	v7 =	vld [tilespmem:s20+$0x50]  }
0x2d: {  	v8 =	vld [tilespmem:s20+$0x60]  }
0x2e: {  	v10 =	vld [tilespmem:s20+$0x70]  }
0x2f: {  	v11 =	vld [tilespmem:s20+$0x80]  }
0x30: {  	v12 =	vld [tilespmem:s20+$0x90]  }
0x31: {  	v13 =	vld [tilespmem:s20+$0xA0]  }
0x32: {  	v14 =	vld [tilespmem:s20+$0xB0]  }
0x33: {  	v15 =	vld [tilespmem:s20+$0xFFFFFFC0]  }
0x34: {  	v16 =	vld [tilespmem:s20+$0xFFFFFFD0]  }
0x35: {  	v17 =	vld [tilespmem:s20+$0xFFFFFFE0]  }
0x36: {  	v18 =	vld [tilespmem:s20+$0xFFFFFFF0]  }
0x37: {  	v19 =	vld [tilespmem:s20+$0x0]  }
0x38: {  	v21 =	vld [tilespmem:s20+$0x10]  }
0x39: {  	v22 =	vld [tilespmem:s20+$0x20]  }
0x3a: {  	v23 =	vld [tilespmem:s20+$0x30]  }
0x3b: {  	v24 =	vld [tilespmem:s20+$0xFFFFFF40]  }
0x3c: {  	v25 =	vld [tilespmem:s20+$0xFFFFFF50]  }
0x3d: {  	v26 =	vld [tilespmem:s20+$0xFFFFFF60]  }
0x3e: {  	v27 =	vld [tilespmem:s20+$0xFFFFFF70]  }
0x3f: {  	v28 =	vld [tilespmem:s20+$0xFFFFFF80]  }
0x40: {  	v29 =	vld [tilespmem:s20+$0xFFFFFF90]  }
0x41: {  	v30 =	vld [tilespmem:s20+$0xFFFFFFA0]  }
0x42: {  	v31 =	vld [tilespmem:s20+$0xFFFFFFB0]  }
0x43: {  	v32 =	vld [tilespmem:s20+$0xFFFFFEC0]  }
0x44: {  	v33 =	vld [tilespmem:s20+$0xFFFFFED0]  }
0x45: {  	v34 =	vld [tilespmem:s20+$0xFFFFFEE0]  }
0x46: {  	v35 =	vld [tilespmem:s20+$0xFFFFFEF0]  }
0x47: {  	v36 =	vld [tilespmem:s20+$0xFFFFFF00]  }
0x48: {  	v37 =	vld [tilespmem:s20+$0xFFFFFF10]  }
0x49: {  	v38 =	vld [tilespmem:s20+$0xFFFFFF20]  }
0x4a: {  	v39 =	vld [tilespmem:s20+$0xFFFFFF30]  }
0x4b: {  	v40 =	vld.idx.msk [tilespmem:v0+s2+$0x0], $0xffff  }
0x4c: {  	v41 =	vld.idx.msk [tilespmem:v1+s2+$0x0], $0xffff  }
0x4d: {  	v42 =	vld.idx.msk [tilespmem:v2+s2+$0x0], $0xffff  }
0x4e: {  	v3 =	vld.idx.msk [tilespmem:v3+s2+$0x0], $0xffff  }
0x4f: {  	v1 =	vld.idx.msk [tilespmem:v4+s2+$0x0], $0xffff  }
0x50: {  	v0 =	vld.idx.msk [tilespmem:v5+s2+$0x0], $0xffff  }
0x51: {  	v4 =	vld.idx.msk [tilespmem:v6+s2+$0x0], $0xffff  }
0x52: {  	v6 =	vld.idx.msk [tilespmem:v7+s2+$0x0], $0xffff  }
0x53: {  	v7 =	vld.idx.msk [tilespmem:v8+s2+$0x0], $0xffff  }
0x54: {  	v10 =	vld.idx.msk [tilespmem:v10+s2+$0x0], $0xffff  }
0x55: {  	v5 =	vld.idx.msk [tilespmem:v11+s2+$0x0], $0xffff  }
0x56: {  	v2 =	vld.idx.msk [tilespmem:v12+s2+$0x0], $0xffff  }
0x57: {  	v11 =	vld.idx.msk [tilespmem:v15+s2+$0x0], $0xffff  }
0x58: {  	v12 =	vld.idx.msk [tilespmem:v16+s2+$0x0], $0xffff  }
0x59: {  	v16 =	vld.idx.msk [tilespmem:v17+s2+$0x0], $0xffff  }
0x5a: {  	v17 =	vld.idx.msk [tilespmem:v18+s2+$0x0], $0xffff  }
0x5b: {  	v18 =	vld.idx.msk [tilespmem:v24+s2+$0x0], $0xffff  }
0x5c: {  	v46 =	vld.idx.msk [tilespmem:v25+s2+$0x0], $0xffff  }
0x5d: {  	v47 =	vld.idx.msk [tilespmem:v32+s2+$0x0], $0xffff  }
0x5e: {  	v48 =	vld.idx.msk [tilespmem:v33+s2+$0x0], $0xffff  }
0x5f: {  	v49 =	vld.idx.msk [tilespmem:v34+s2+$0x0], $0xffff  }
0x60: {  	v50 =	vld.idx.msk [tilespmem:v35+s2+$0x0], $0xffff  }
0x61: {  	v26 =	vld.idx.msk [tilespmem:v26+s2+$0x0], $0xffff  }
0x62: {  	v27 =	vld.idx.msk [tilespmem:v27+s2+$0x0], $0xffff  }
0x63: {  	v15 =	vld.idx.msk [tilespmem:v19+s2+$0x0], $0xffff  }
0x64: {  	v51 =	vimm.f32 $0.0e+00;
	v8 =	vld.idx.msk [tilespmem:v21+s2+$0x0], $0xffff  }
0x65: {  	v53 =	vld.idx.msk [tilespmem:v28+s2+$0x0], $0xffff;
	v19 =	vadd.f32 v47, v51;
	v52 =	vadd.f32 v48, v51  }
0x66: {  	v29 =	vld.idx.msk [tilespmem:v29+s2+$0x0], $0xffff;
	v54 =	vadd.f32 v49, v51;
	v55 =	vadd.f32 v50, v51  }
0x67: {  	v57 =	vld.idx.msk [tilespmem:v37+s2+$0x0], $0xffff;
	v18 =	vadd.f32 v18, v19;
	v19 =	vadd.f32 v46, v52  }
0x68: {  	v60 =	vld.idx.msk [tilespmem:v38+s2+$0x0], $0xffff;
	v58 =	vadd.f32 v26, v54;
	v59 =	vadd.f32 v27, v55  }
0x69: {  	v56 =	vld.idx.msk [tilespmem:v36+s2+$0x0], $0xffff;
	v11 =	vadd.f32 v11, v18;
	v12 =	vadd.f32 v12, v19  }
0x6a: {  	v61 =	vld.idx.msk [tilespmem:v30+s2+$0x0], $0xffff;
	v16 =	vadd.f32 v16, v58;
	v17 =	vadd.f32 v17, v59  }
0x6b: {  	v18 =	vld.idx.msk [tilespmem:v39+s2+$0x0], $0xffff;
	v4 =	vadd.f32 v4, v11;
	v6 =	vadd.f32 v6, v12  }
0x6c: {  	v62 =	vld.idx.msk [tilespmem:v31+s2+$0x0], $0xffff;
	v11 =	vadd.f32 v7, v16;
	v10 =	vadd.f32 v10, v17  }
0x6d: {  	v16 =	vadd.f32 v57, v51;
	v12 =	vld.idx.msk [tilespmem:v13+s2+$0x0], $0xffff;
	v13 =	vadd.f32 v60, v51  }
0x6e: {  	v19 =	vld.idx.msk [tilespmem:v22+s2+$0x0], $0xffff;
	v7 =	vadd.f32 v40, v4;
	v6 =	vadd.f32 v41, v6  }
0x6f: {  	v17 =	vld.idx.msk [tilespmem:v23+s2+$0x0], $0xffff;
	v3 =	vadd.f32 v3, v10;
	v10 =	vadd.f32 v56, v51  }
0x70: {  	v4 =	vadd.f32 v42, v11;
	v11 =	vld.idx.msk [tilespmem:v14+s2+$0x0], $0xffff;
	v63 =	vadd.f32 v18, v51  }
0x71: {  	v16 =	vadd.f32 v29, v16;
	v18 =	vadd.f32 v53, v10;
	v10 =	vld.idx.msk [tilespmem:v9+s2+$0x0], $0xffff  }
0x72: {  	s21 =	simm.s32 $0x18AC0;
	s20 =	simm.s32 $0x0;
	v14 =	vadd.f32 v61, v13;
	v9 =	vld.idx.msk [tilespmem:v20+s2+$0x0], $0xffff;
	v13 =	vadd.f32 v62, v63  }
.LBB2_2:
0x73: {  	v20 =	vld [tilespmem:s21+$0xC0];
	v15 =	vadd.f32 v15, v18;
	v8 =	vadd.f32 v8, v16  }
0x74: {  	v21 =	vld [tilespmem:s21+$0xD0];
	v14 =	vadd.f32 v19, v14;
	v13 =	vadd.f32 v17, v13  }
0x75: {  	v17 =	vld [tilespmem:s21+$0xE0];
	v5 =	vadd.f32 v5, v15;
	v2 =	vadd.f32 v2, v8  }
0x76: {  	v8 =	vld [tilespmem:s21+$0xF0];
	v14 =	vadd.f32 v12, v14;
	v15 =	vadd.f32 v11, v13  }
0x77: {  	v19 =	vld [tilespmem:s21+$0x100];
	v11 =	vadd.f32 v1, v5;
	v12 =	vadd.f32 v0, v2  }
0x78: {  	v0 =	vld [tilespmem:s21+$0x110];
	v13 =	vadd.f32 v10, v14;
	v14 =	vadd.f32 v9, v15  }
0x79: {  	v10 =	vld [tilespmem:s21+$0x120]  }
0x7a: {  	v9 =	vld [tilespmem:s21+$0x130]  }
0x7b: {  	v2 =	vld [tilespmem:s21+$0x40]  }
0x7c: {  	v5 =	vld [tilespmem:s21+$0x50]  }
0x7d: {  	v15 =	vld [tilespmem:s21+$0x60]  }
0x7e: {  	v22 =	vld [tilespmem:s21+$0x70]  }
0x7f: {  	v23 =	vld [tilespmem:s21+$0x80]  }
0x80: {  	v24 =	vld [tilespmem:s21+$0x90]  }
0x81: {  	v18 =	vld [tilespmem:s21+$0xA0]  }
0x82: {  	v16 =	vld [tilespmem:s21+$0xB0]  }
0x83: {  	v25 =	vld [tilespmem:s21+$0xFFFFFFC0]  }
0x84: {  	v26 =	vld [tilespmem:s21+$0xFFFFFFD0]  }
0x85: {  	v27 =	vld [tilespmem:s21+$0xFFFFFFE0]  }
0x86: {  	v28 =	vld [tilespmem:s21+$0xFFFFFFF0]  }
0x87: {  	v29 =	vld [tilespmem:s21+$0x0]  }
0x88: {  	v30 =	vld [tilespmem:s21+$0x10]  }
0x89: {  	v31 =	vld [tilespmem:s21+$0x20]  }
0x8a: {  	v32 =	vld [tilespmem:s21+$0x30]  }
0x8b: {  	v33 =	vld [tilespmem:s21+$0xFFFFFF40]  }
0x8c: {  	v34 =	vld [tilespmem:s21+$0xFFFFFF50]  }
0x8d: {  	v35 =	vld [tilespmem:s21+$0xFFFFFF60]  }
0x8e: {  	v36 =	vld [tilespmem:s21+$0xFFFFFF70]  }
0x8f: {  	v37 =	vld [tilespmem:s21+$0xFFFFFF80]  }
0x90: {  	v38 =	vld [tilespmem:s21+$0xFFFFFF90]  }
0x91: {  	v39 =	vld [tilespmem:s21+$0xFFFFFFA0]  }
0x92: {  	v40 =	vld [tilespmem:s21+$0xFFFFFFB0]  }
0x93: {  	v41 =	vld [tilespmem:s21+$0xFFFFFEC0]  }
0x94: {  	v42 =	vld [tilespmem:s21+$0xFFFFFED0]  }
0x95: {  	v43 =	vld [tilespmem:s21+$0xFFFFFEE0]  }
0x96: {  	v44 =	vld [tilespmem:s21+$0xFFFFFEF0]  }
0x97: {  	v45 =	vld [tilespmem:s21+$0xFFFFFF00]  }
0x98: {  	v46 =	vld [tilespmem:s21+$0xFFFFFF10]  }
0x99: {  	v47 =	vld [tilespmem:s21+$0xFFFFFF20]  }
0x9a: {  	v48 =	vld [tilespmem:s21+$0xFFFFFF30]  }
0x9b: {  	v20 =	vld.idx.msk [tilespmem:v20+s2+$0x0], $0xffff  }
0x9c: {  	v21 =	vld.idx.msk [tilespmem:v21+s2+$0x0], $0xffff  }
0x9d: {  	v49 =	vld.idx.msk [tilespmem:v17+s2+$0x0], $0xffff  }
0x9e: {  	v50 =	vld.idx.msk [tilespmem:v8+s2+$0x0], $0xffff  }
0x9f: {  	v1 =	vld.idx.msk [tilespmem:v19+s2+$0x0], $0xffff  }
0xa0: {  	v0 =	vld.idx.msk [tilespmem:v0+s2+$0x0], $0xffff  }
0xa1: {  	v17 =	vld.idx.msk [tilespmem:v2+s2+$0x0], $0xffff  }
0xa2: {  	v19 =	vld.idx.msk [tilespmem:v5+s2+$0x0], $0xffff  }
0xa3: {  	v51 =	vld.idx.msk [tilespmem:v15+s2+$0x0], $0xffff  }
0xa4: {  	v22 =	vld.idx.msk [tilespmem:v22+s2+$0x0], $0xffff  }
0xa5: {  	v5 =	vld.idx.msk [tilespmem:v23+s2+$0x0], $0xffff  }
0xa6: {  	v2 =	vld.idx.msk [tilespmem:v24+s2+$0x0], $0xffff  }
0xa7: {  	v23 =	vld.idx.msk [tilespmem:v25+s2+$0x0], $0xffff  }
0xa8: {  	v24 =	vld.idx.msk [tilespmem:v26+s2+$0x0], $0xffff  }
0xa9: {  	v25 =	vld.idx.msk [tilespmem:v27+s2+$0x0], $0xffff  }
0xaa: {  	v26 =	vld.idx.msk [tilespmem:v28+s2+$0x0], $0xffff  }
0xab: {  	v27 =	vld.idx.msk [tilespmem:v33+s2+$0x0], $0xffff  }
0xac: {  	v28 =	vld.idx.msk [tilespmem:v34+s2+$0x0], $0xffff  }
0xad: {  	v33 =	vld.idx.msk [tilespmem:v41+s2+$0x0], $0xffff  }
0xae: {  	v34 =	vld.idx.msk [tilespmem:v42+s2+$0x0], $0xffff  }
0xaf: {  	v41 =	vld.idx.msk [tilespmem:v43+s2+$0x0], $0xffff  }
0xb0: {  	v42 =	vld.idx.msk [tilespmem:v44+s2+$0x0], $0xffff  }
0xb1: {  	v35 =	vld.idx.msk [tilespmem:v35+s2+$0x0], $0xffff  }
0xb2: {  	s20 =	sadd.s32 $0x5, s20;
	v36 =	vld.idx.msk [tilespmem:v36+s2+$0x0], $0xffff  }
0xb3: {  	p0 =	slt.u32 s20, $0x2D;
	v15 =	vld.idx.msk [tilespmem:v29+s2+$0x0], $0xffff  }
0xb4: {  	v8 =	vld.idx.msk [tilespmem:v30+s2+$0x0], $0xffff  }
0xb5: {  	v7 =	vadd.f32 v33, v7;
	v6 =	vadd.f32 v34, v6;
	v29 =	vld.idx.msk [tilespmem:v37+s2+$0x0], $0xffff  }
0xb6: {  	v4 =	vadd.f32 v41, v4;
	v3 =	vadd.f32 v42, v3;
	v30 =	vld.idx.msk [tilespmem:v38+s2+$0x0], $0xffff  }
0xb7: {  	v7 =	vadd.f32 v27, v7;
	v6 =	vadd.f32 v28, v6;
	v33 =	vld.idx.msk [tilespmem:v45+s2+$0x0], $0xffff  }
0xb8: {  	v4 =	vadd.f32 v35, v4;
	v3 =	vadd.f32 v36, v3;
	v27 =	vld.idx.msk [tilespmem:v46+s2+$0x0], $0xffff  }
0xb9: {  	v7 =	vadd.f32 v23, v7;
	v6 =	vadd.f32 v24, v6;
	v28 =	vld.idx.msk [tilespmem:v47+s2+$0x0], $0xffff  }
0xba: {  	v4 =	vadd.f32 v25, v4;
	v3 =	vadd.f32 v26, v3;
	v23 =	vld.idx.msk [tilespmem:v48+s2+$0x0], $0xffff  }
0xbb: {  	v7 =	vadd.f32 v17, v7;
	v6 =	vadd.f32 v19, v6;
	v24 =	vld.idx.msk [tilespmem:v39+s2+$0x0], $0xffff  }
0xbc: {  	v4 =	vadd.f32 v51, v4;
	v3 =	vadd.f32 v22, v3;
	v25 =	vld.idx.msk [tilespmem:v40+s2+$0x0], $0xffff  }
0xbd: {  	v7 =	vadd.f32 v20, v7;
	v6 =	vadd.f32 v21, v6;
	v19 =	vld.idx.msk [tilespmem:v31+s2+$0x0], $0xffff  }
.Ltmp0:
0xbe: {  	v4 =	vadd.f32 v49, v4;
	v3 =	vadd.f32 v50, v3;
	v17 =	vld.idx.msk [tilespmem:v32+s2+$0x0], $0xffff;
	(pc) =	sbr.rel @p0 .LBB2_2-.Ltmp0, $4  }
0xbf: {  	v20 =	vadd.f32 v33, v11;
	v21 =	vadd.f32 v27, v12;
	v12 =	vld.idx.msk [tilespmem:v18+s2+$0x0], $0xffff  }
0xc0: {  	v13 =	vadd.f32 v28, v13;
	v22 =	vadd.f32 v23, v14;
	v11 =	vld.idx.msk [tilespmem:v16+s2+$0x0], $0xffff  }
0xc1: {  	v18 =	vadd.f32 v29, v20;
	v16 =	vadd.f32 v30, v21;
	v10 =	vld.idx.msk [tilespmem:v10+s2+$0x0], $0xffff  }
0xc2: {  	s21 =	sadd.s32 $0x280, s21;
	v14 =	vadd.f32 v24, v13;
	v13 =	vadd.f32 v25, v22;
	v9 =	vld.idx.msk [tilespmem:v9+s2+$0x0], $0xffff  }
0xc3: {  	v20 =	vld [tilespmem:$0x1A300];
	_ =	sdelay $0x4  }
0xc4: {  	(erf) = vrcp.f32 v20;
	_ =	sdelay $0x6  }
0xc5: {  	v27 =	vld [tilespmem:$0x1A380];
	_ =	sdelay $0x1  }
0xc6: {  	v21 =	vpop (erf)  }
0xc7: {  	v7 =	vmul.f32 v21, v7;
	_ =	sdelay $0x1  }
0xc8: {  	v7 =	vadd.f32 v7, v27;
	_ =	sdelay $0x1  }
0xc9: {  	v7 =	vsub.f32 $0.0e+00, v7;
	_ =	sdelay $0x1  }
0xca: {  	v7 =	vmul.f32 $1.442695020e+00, v7;
	_ =	sdelay $0x1  }
0xcb: {  	(erf) = vpow2.f32 v7;
	_ =	sdelay $0x7  }
0xcc: {  	v28 =	vld [tilespmem:$0x1A310]  }
0xcd: {  	v29 =	vpop (erf)  }
0xce: {  	v20 =	vadd.f32 $1.000000000e+00, v29;
	_ =	sdelay $0x1  }
0xcf: {  	(erf) = vrcp.f32 v20  }
0xd0: {  	(erf) = vrcp.f32 v28;
	_ =	sdelay $0x6  }
0xd1: {  	v30 =	vld [tilespmem:$0x1A380]  }
0xd2: {  	v20 =	vpop (erf)  }
0xd3: {  	v31 =	vpop (erf)  }
0xd4: {  	v6 =	vmul.f32 v31, v6;
	_ =	sdelay $0x1  }
0xd5: {  	v6 =	vadd.f32 v6, v30;
	_ =	sdelay $0x1  }
0xd6: {  	v6 =	vsub.f32 $0.0e+00, v6;
	_ =	sdelay $0x1  }
0xd7: {  	v6 =	vmul.f32 $1.442695020e+00, v6;
	_ =	sdelay $0x1  }
0xd8: {  	(erf) = vpow2.f32 v6;
	_ =	sdelay $0x7  }
0xd9: {  	v32 =	vld [tilespmem:$0x1A320]  }
0xda: {  	v33 =	vpop (erf)  }
0xdb: {  	v7 =	vadd.f32 $1.000000000e+00, v33;
	_ =	sdelay $0x1  }
0xdc: {  	(erf) = vrcp.f32 v7  }
0xdd: {  	(erf) = vrcp.f32 v32;
	_ =	sdelay $0x6  }
0xde: {  	v34 =	vld [tilespmem:$0x1A380]  }
0xdf: {  	v7 =	vpop (erf)  }
0xe0: {  	v35 =	vpop (erf)  }
0xe1: {  	v4 =	vmul.f32 v35, v4;
	_ =	sdelay $0x1  }
0xe2: {  	v4 =	vadd.f32 v4, v34;
	_ =	sdelay $0x1  }
0xe3: {  	v4 =	vsub.f32 $0.0e+00, v4;
	_ =	sdelay $0x1  }
0xe4: {  	v4 =	vmul.f32 $1.442695020e+00, v4;
	_ =	sdelay $0x1  }
0xe5: {  	(erf) = vpow2.f32 v4;
	_ =	sdelay $0x7  }
0xe6: {  	v36 =	vld [tilespmem:$0x1A330]  }
0xe7: {  	v37 =	vpop (erf)  }
0xe8: {  	v6 =	vadd.f32 $1.000000000e+00, v37;
	_ =	sdelay $0x1  }
0xe9: {  	(erf) = vrcp.f32 v6  }
0xea: {  	(erf) = vrcp.f32 v36;
	_ =	sdelay $0x6  }
0xeb: {  	v38 =	vld [tilespmem:$0x1A380]  }
0xec: {  	v6 =	vpop (erf)  }
0xed: {  	v39 =	vpop (erf)  }
0xee: {  	v3 =	vmul.f32 v39, v3;
	_ =	sdelay $0x1  }
0xef: {  	v3 =	vadd.f32 v3, v38;
	_ =	sdelay $0x1  }
0xf0: {  	v3 =	vsub.f32 $0.0e+00, v3;
	_ =	sdelay $0x1  }
0xf1: {  	v3 =	vmul.f32 $1.442695020e+00, v3;
	_ =	sdelay $0x1  }
0xf2: {  	(erf) = vpow2.f32 v3;
	_ =	sdelay $0x7  }
0xf3: {  	v40 =	vld [tilespmem:$0x1A340]  }
0xf4: {  	v41 =	vpop (erf)  }
0xf5: {  	v4 =	vadd.f32 $1.000000000e+00, v41;
	_ =	sdelay $0x1  }
0xf6: {  	(erf) = vrcp.f32 v4  }
0xf7: {  	(erf) = vrcp.f32 v40;
	_ =	sdelay $0x3  }
0xf8: {  	v42 =	vadd.f32 v15, v18;
	_ =	sdelay $0x1  }
0xf9: {  	v3 =	vadd.f32 v5, v42  }
0xfa: {  	v43 =	vld [tilespmem:$0x1A380]  }
0xfb: {  	v1 =	vadd.f32 v1, v3;
	v44 =	vpop (erf)  }
0xfc: {  	v45 =	vpop (erf)  }
0xfd: {  	v1 =	vmul.f32 v45, v1;
	_ =	sdelay $0x1  }
0xfe: {  	v1 =	vadd.f32 v1, v43;
	_ =	sdelay $0x1  }
0xff: {  	v1 =	vsub.f32 $0.0e+00, v1;
	_ =	sdelay $0x1  }
0x100: {  	v1 =	vmul.f32 $1.442695020e+00, v1;
	_ =	sdelay $0x1  }
0x101: {  	(erf) = vpow2.f32 v1;
	_ =	sdelay $0x7  }
0x102: {  	v46 =	vld [tilespmem:$0x1A350]  }
0x103: {  	v47 =	vpop (erf)  }
0x104: {  	v4 =	vadd.f32 $1.000000000e+00, v47;
	_ =	sdelay $0x1  }
0x105: {  	(erf) = vrcp.f32 v4  }
0x106: {  	(erf) = vrcp.f32 v46;
	_ =	sdelay $0x3  }
0x107: {  	v48 =	vadd.f32 v8, v16;
	_ =	sdelay $0x1  }
0x108: {  	v1 =	vadd.f32 v2, v48  }
0x109: {  	v49 =	vld [tilespmem:$0x1A380]  }
0x10a: {  	v0 =	vadd.f32 v0, v1;
	v50 =	vpop (erf)  }
0x10b: {  	v51 =	vpop (erf)  }
0x10c: {  	v0 =	vmul.f32 v51, v0;
	_ =	sdelay $0x1  }
0x10d: {  	v0 =	vadd.f32 v0, v49;
	_ =	sdelay $0x1  }
0x10e: {  	v0 =	vsub.f32 $0.0e+00, v0;
	_ =	sdelay $0x1  }
0x10f: {  	v0 =	vmul.f32 $1.442695020e+00, v0;
	_ =	sdelay $0x1  }
0x110: {  	(erf) = vpow2.f32 v0;
	_ =	sdelay $0x7  }
0x111: {  	v52 =	vld [tilespmem:$0x1A360]  }
0x112: {  	v53 =	vpop (erf)  }
0x113: {  	v2 =	vadd.f32 $1.000000000e+00, v53;
	_ =	sdelay $0x1  }
0x114: {  	(erf) = vrcp.f32 v2  }
0x115: {  	(erf) = vrcp.f32 v52;
	_ =	sdelay $0x3  }
0x116: {  	v54 =	vadd.f32 v19, v14;
	_ =	sdelay $0x1  }
0x117: {  	v0 =	vadd.f32 v12, v54  }
0x118: {  	v55 =	vld [tilespmem:$0x1A380]  }
0x119: {  	v0 =	vadd.f32 v10, v0;
	v56 =	vpop (erf)  }
0x11a: {  	v57 =	vpop (erf)  }
0x11b: {  	v0 =	vmul.f32 v57, v0;
	_ =	sdelay $0x1  }
0x11c: {  	v0 =	vadd.f32 v0, v55;
	_ =	sdelay $0x1  }
0x11d: {  	v0 =	vsub.f32 $0.0e+00, v0;
	_ =	sdelay $0x1  }
0x11e: {  	v0 =	vmul.f32 $1.442695020e+00, v0;
	_ =	sdelay $0x1  }
0x11f: {  	(erf) = vpow2.f32 v0;
	_ =	sdelay $0x7  }
0x120: {  	v58 =	vld [tilespmem:$0x1A370]  }
0x121: {  	v59 =	vpop (erf)  }
0x122: {  	v2 =	vadd.f32 $1.000000000e+00, v59;
	_ =	sdelay $0x1  }
0x123: {  	(erf) = vrcp.f32 v2  }
0x124: {  	(erf) = vrcp.f32 v58;
	_ =	sdelay $0x3  }
0x125: {  	v60 =	vadd.f32 v17, v13;
	_ =	sdelay $0x1  }
0x126: {  	v0 =	vadd.f32 v11, v60  }
0x127: {  	v61 =	vld [tilespmem:$0x1A380]  }
0x128: {  	v0 =	vadd.f32 v9, v0;
	v62 =	vpop (erf)  }
0x129: {  	v63 =	vpop (erf)  }
0x12a: {  	v0 =	vmul.f32 v63, v0;
	_ =	sdelay $0x1  }
0x12b: {  	v0 =	vadd.f32 v0, v61;
	_ =	sdelay $0x1  }
0x12c: {  	v0 =	vsub.f32 $0.0e+00, v0;
	_ =	sdelay $0x1  }
0x12d: {  	v0 =	vmul.f32 $1.442695020e+00, v0;
	_ =	sdelay $0x1  }
0x12e: {  	(erf) = vpow2.f32 v0;
	_ =	sdelay $0x8  }
0x12f: {  	v0 =	vpop (erf)  }
0x130: {  	v0 =	vadd.f32 $1.000000000e+00, v0;
	_ =	sdelay $0x1  }
0x131: {  	(erf) = vrcp.f32 v0;
	_ =	sdelay $0x2  }
0x132: {  	[tilespmem:$0x1A400] =	vst v20  }
0x133: {  	[tilespmem:$0x1A410] =	vst v7  }
0x134: {  	[tilespmem:$0x1A420] =	vst v6  }
0x135: {  	[tilespmem:$0x1A430] =	vst v44  }
0x136: {  	[tilespmem:$0x1A440] =	vst v50  }
0x137: {  	s19 =	sadd.s32 $0x1, s19;
	[tilespmem:$0x1A450] =	vst v56  }
0x138: {  	p0 =	sne.s32 s19, s9;
	[tilespmem:$0x1A460] =	vst v62;
	v0 =	vpop (erf)  }
.Ltmp1:
0x139: {  	[tilespmem:$0x1A470] =	vst v0;
	(pc) =	sbr.rel @p0 .LBB2_1-.Ltmp1, $4  }
0x13a: {  	[hbm4b:s8+s2] =	stream.linear.scatter [tilespmem:s18], [sflag:$0x2], $0x80, $0x38;
	[tilespmem:$0x1A480] =	vst v63  }
0x13b: {  	_ =	swait.ge [sflag:s14], $0x80  }
0x13c: {  	[sflag:s14] =	ssyncset.done $0x0  }
0x13d: {  	[sflag:s14] =	ssyncadd.s32 $0xFFFFFF80  }
0x13e: {  	_ =	sfence.sel $0x180000  }
0x13f: {  	[bflag:$0x0] =	sbarrier.arrive $0xFFFF  }
0x140: {  	p0 =	sne.s32 s1, $0x0;
	_ =	strace $0x90000047  }
0x141: {  	s0 =	sadd.s32 @!p0 $0x100000, s0;
	[bflag:$0x2] =	sbarrier.arrive $0xFFFF  }
0x142: {  	[sflag:s0] =	ssyncadd.tile.s32 @!p0 $0x1;
	_ =	shalt  }
.Lfunc_end2:
_tile_overlayer_lowered:
.L_overlay_start_2:
0x143: {  	(tag) =	ssettag $0x2  }
0x144: {  	s0 =	rddreg [dreg:$0x0];
	s2 =	stileid.u32  }
0x145: {  	s1 =	rddreg [dreg:$0x1];
	p0 =	sne.s32 s2, $0x0  }
0x146: {  	s3 =	rddreg [dreg:$0x2];
	[bflag:$0x3] =	sbarrier.arrive $0xFFFF;
	s2 =	simm.s32 @!p0 $0x1C02  }
0x147: {  	[timem:s3], [sflag:s2] =	dma.local @!p0 [hbm:s0], s1  }
0x148: {  	s0 =	simm.s32 @!p0 $0x2  }
0x149: {  	_ =	swait.ge @!p0 [sflag:s0], s1  }
0x14a: {  	s1 =	ssub.s32 @!p0 $0x0, s1;
	[sflag:s0] =	ssyncset.done @!p0 $0x0  }
0x14b: {  	[sflag:s0] =	ssyncadd.s32 @!p0 s1  }
0x14c: {  	[bflag:$0x3] =	sbarrier.arrive $0xFFFF  }
0x14d: {  	_ =	shalt  }

</sc_bundles>
